<compile_context>
chip_gen: v7x
topology: tpu7x:2x2x1
jax: 0.10.2.dev20260603
libtpu: 0.0.44.dev20260713+nightly
codegen_flags: <defaults>
</compile_context>

<pallas_src>
import functools

import jax
import jax.numpy as jnp
from jax import lax
from jax.experimental import pallas as pl
from jax.experimental.pallas import tpu as pltpu
from jax.experimental.pallas import tpu_sc as plsc

_B, _S, _D = 4, 2048, 768
_NC, _NS = 2, 16
_NW = _NC * _NS
_PPW = _S // _NW
_CH = 16
_CPB = _PPW // _CH
_NBUF = 6
_LPR = _D // 16

_mesh = plsc.VectorSubcoreMesh(core_axis_name="c", subcore_axis_name="s")


@functools.partial(
    pl.kernel,
    mesh=_mesh,
    out_type=jax.ShapeDtypeStruct((_B, _S, _D), jnp.float32),
    scratch_types=[
        pltpu.VMEM((_B, _PPW), jnp.int32),
        pltpu.VMEM((_PPW, _D), jnp.float32),
        pltpu.VMEM((_NBUF, _CH, _D), jnp.float32),
        pltpu.SemaphoreType.DMA((2,)),
        pltpu.SemaphoreType.DMA((_CPB,)),
        pltpu.SemaphoreType.DMA((_NBUF,)),
        pltpu.SemaphoreType.DMA((_NBUF,)),
    ],
)
def _emb_kernel(x_hbm, wte_hbm, wpe_hbm, out_hbm,
                idx_v, wpe_v, tok_v,
                sem_in, sem_wpe, gsems, osems):
    wid = lax.axis_index("s") * _NC + lax.axis_index("c")
    pos0 = wid * _PPW

    _NCHUNK = _B * _CPB
    _PF = 4
    _DR = _NBUF - _PF

    def gather_desc(c):
        b, part, buf = c // _CPB, c % _CPB, c % _NBUF
        return pltpu.make_async_copy(
            wte_hbm.at[idx_v.at[b, pl.ds(part * _CH, _CH)]],
            tok_v.at[buf], gsems.at[buf])

    def store_desc(c):
        b, part, buf = c // _CPB, c % _CPB, c % _NBUF
        return pltpu.make_async_copy(
            tok_v.at[buf],
            out_hbm.at[b, pl.ds(pos0 + part * _CH, _CH)], osems.at[buf])

    def add_chunk(buf, part):
        @plsc.parallel_loop(0, _CH, unroll=2)
        def row_body(r):
            for g in range(_LPR // 8):
                w = [wpe_v[part * _CH + r, pl.ds((g * 8 + j) * 16, 16)]
                     for j in range(8)]
                for j in range(8):
                    plsc.addupdate(
                        tok_v.at[buf, r, pl.ds((g * 8 + j) * 16, 16)], w[j])

    def wpe_part_desc(p):
        return pltpu.make_async_copy(
            wpe_hbm.at[pl.ds(pos0 + p * _CH, _CH)],
            wpe_v.at[pl.ds(p * _CH, _CH)], sem_wpe.at[p])

    idx0_copy = pltpu.async_copy(
        x_hbm.at[0, pl.ds(pos0, _PPW)], idx_v.at[0], sem_in.at[0])
    idx_rest = [
        pltpu.async_copy(x_hbm.at[b, pl.ds(pos0, _PPW)], idx_v.at[b],
                         sem_in.at[1])
        for b in range(1, _B)
    ]
    idx0_copy.wait()
    for c in range(min(_PF, _CPB)):
        gather_desc(c).start()
        wpe_part_desc(c).start()
    for c in idx_rest:
        c.wait()
    for c in range(_CPB, _PF):
        gather_desc(c).start()

    @pl.loop(0, _NCHUNK)
    def chunk_step(c):
        @pl.when(jnp.logical_and(c >= _DR, c < _NCHUNK - _PF))
        def _drain():
            store_desc(c - _DR).wait()

        @pl.when(c < _NCHUNK - _PF)
        def _prefetch():
            gather_desc(c + _PF).start()

        gather_desc(c).wait()

        @pl.when(c < _CPB)
        def _wpe_ready():
            wpe_part_desc(c).wait()

        add_chunk(c % _NBUF, c % _CPB)
        store_desc(c).start()

    for c in range(_NCHUNK - _NBUF, _NCHUNK):
        store_desc(c).wait()


def kernel(x, wte, wpe):
    return _emb_kernel(x.astype(jnp.int32), wte, wpe)

# --- scband reference (transcript-rebuilt; emitter-appended) ---
"""Pipeline reference for scband-wte-wpe-33629593928314 (READ-ONLY COPY).

The authoritative reference and input builder live on the scoring server;
editing this copy changes nothing except your own understanding.
"""

import jax, jax.numpy as jnp
import numpy as np

VOCAB = 100000
D_MODEL = 768
CNTX = 2048
B, S = 4, 2048


def setup_inputs(seed: int = 0) -> dict:
    key = jax.random.key(seed)
    k_x, k_wte, k_wpe = jax.random.split(key, 3)
    x = jax.random.randint(k_x, (B, S), 0, VOCAB, dtype=jnp.int64 if jax.config.read('jax_enable_x64') else jnp.int32)
    wte = jax.random.normal(k_wte, (VOCAB, D_MODEL), dtype=jnp.float32) * 0.02
    wpe = jax.random.normal(k_wpe, (CNTX, D_MODEL), dtype=jnp.float32) * 0.02
    return {"x": x, "wte": wte, "wpe": wpe}


def reference(x, wte, wpe):
    # token embedding gather + positional embedding gather, summed.
    pos = jnp.arange(x.shape[1])
    tok_emb = jnp.take(wte, x, axis=0)            # [B, S, D]
    pos_emb = jnp.take(wpe, pos, axis=0)          # [S, D]
    out = tok_emb + pos_emb[None, :, :]
    # dropout with p=0.0 is identity
    return out

if __name__ == "__main__":
    import jax
    _d = setup_inputs()
    print(jax.jit(kernel)(*tuple(_d.values())))

</pallas_src>

<mosaic_0001>
#map = affine_map<(d0, d1) -> (0, 0)>
#map1 = affine_map<(d0, d1) -> (0, 0, 0)>
module attributes {stable_mosaic.version = 14 : i64} {
  func.func @_emb_kernel(%arg0: i32, %arg1: i32, %arg2: memref<4x2048xi32, #tpu.memory_space<hbm>>, %arg3: memref<100000x768xf32, #tpu.memory_space<hbm>>, %arg4: memref<2048x768xf32, #tpu.memory_space<hbm>>, %arg5: memref<4x2048x768xf32, #tpu.memory_space<hbm>>, %arg6: memref<4x64xi32, #tpu.memory_space<vmem>>, %arg7: memref<64x768xf32, #tpu.memory_space<vmem>>, %arg8: memref<6x16x768xf32, #tpu.memory_space<vmem>>, %arg9: memref<2x!tpu.dma_semaphore, #tpu.memory_space<semaphore_mem>>, %arg10: memref<4x!tpu.dma_semaphore, #tpu.memory_space<semaphore_mem>>, %arg11: memref<6x!tpu.dma_semaphore, #tpu.memory_space<semaphore_mem>>, %arg12: memref<6x!tpu.dma_semaphore, #tpu.memory_space<semaphore_mem>>) attributes {dimension_semantics = [#tpu.dimension_semantics<core_parallel>, #tpu.dimension_semantics<subcore_parallel>], iteration_bounds = array<i64: 2, 16>, scalar_prefetch = 0 : i64, scratch_operands = 7 : i64, tpu.core_type = #tpu.core_type<sc_vector_subcore>, window_params = [{transform_indices = #map}, {transform_indices = #map}, {transform_indices = #map}, {transform_indices = #map1}]} {
    %mul3A = arith.constant 2 : i32
    %mul3A_0 = arith.muli %arg1, %mul3A : i32
    %add3A = arith.addi %mul3A_0, %arg0 : i32
    %mul3A_1 = arith.constant 64 : i32
    %mul3A_2 = arith.muli %add3A, %mul3A_1 : i32
    %dma_start3A = arith.constant 0 : i32
    %dma_start3A_3 = arith.constant 0 : i32
    %dma_start3A_4 = arith.constant 0 : i32
    %dma_start3A_5 = arith.constant 0 : i32
    %dma_start3A_6 = tpu.memref_slice %arg6[%dma_start3A_3, %dma_start3A_5] : memref<4x64xi32, #tpu.memory_space<vmem>> -> memref<1x64xi32, #tpu.memory_space<vmem>>
    %dma_start3A_7 = tpu.memref_squeeze %dma_start3A_6 : memref<1x64xi32, #tpu.memory_space<vmem>> -> memref<64xi32, #tpu.memory_space<vmem>>
    %dma_start3A_8 = tpu.memref_slice %arg2[%dma_start3A, %mul3A_2] : memref<4x2048xi32, #tpu.memory_space<hbm>> -> memref<1x64xi32, #tpu.memory_space<hbm>>
    %dma_start3A_9 = tpu.memref_squeeze %dma_start3A_8 : memref<1x64xi32, #tpu.memory_space<hbm>> -> memref<64xi32, #tpu.memory_space<hbm>>
    %dma_start3A_10 = tpu.memref_slice %arg9[%dma_start3A_4] : memref<2x!tpu.dma_semaphore, #tpu.memory_space<semaphore_mem>> -> memref<1x!tpu.dma_semaphore, #tpu.memory_space<semaphore_mem>>
    %dma_start3A_11 = tpu.memref_squeeze %dma_start3A_10 : memref<1x!tpu.dma_semaphore, #tpu.memory_space<semaphore_mem>> -> memref<!tpu.dma_semaphore, #tpu.memory_space<semaphore_mem>>
    %dma_start3A_12 = arith.constant 0 : i32
    %dma_start3A_13 = tpu.memref_slice %arg6[%dma_start3A_3, %dma_start3A_12] : memref<4x64xi32, #tpu.memory_space<vmem>> -> memref<1x64xi32, #tpu.memory_space<vmem>>
    %dma_start3A_14 = tpu.memref_squeeze %dma_start3A_13 : memref<1x64xi32, #tpu.memory_space<vmem>> -> memref<64xi32, #tpu.memory_space<vmem>>
    %dma_start3A_15 = tpu.memref_slice %arg2[%dma_start3A, %mul3A_2] : memref<4x2048xi32, #tpu.memory_space<hbm>> -> memref<1x64xi32, #tpu.memory_space<hbm>>
    %dma_start3A_16 = tpu.memref_squeeze %dma_start3A_15 : memref<1x64xi32, #tpu.memory_space<hbm>> -> memref<64xi32, #tpu.memory_space<hbm>>
    tpu.enqueue_dma source(%dma_start3A_16 : memref<64xi32, #tpu.memory_space<hbm>>) target(%dma_start3A_14 : memref<64xi32, #tpu.memory_space<vmem>>) target_semaphore(%dma_start3A_11 : memref<!tpu.dma_semaphore, #tpu.memory_space<semaphore_mem>>)
    %dma_start3A_17 = arith.constant 1 : i32
    %dma_start3A_18 = arith.constant 1 : i32
    %dma_start3A_19 = arith.constant 1 : i32
    %dma_start3A_20 = arith.constant 0 : i32
    %dma_start3A_21 = tpu.memref_slice %arg6[%dma_start3A_18, %dma_start3A_20] : memref<4x64xi32, #tpu.memory_space<vmem>> -> memref<1x64xi32, #tpu.memory_space<vmem>>
    %dma_start3A_22 = tpu.memref_squeeze %dma_start3A_21 : memref<1x64xi32, #tpu.memory_space<vmem>> -> memref<64xi32, #tpu.memory_space<vmem>>
    %dma_start3A_23 = tpu.memref_slice %arg2[%dma_start3A_17, %mul3A_2] : memref<4x2048xi32, #tpu.memory_space<hbm>> -> memref<1x64xi32, #tpu.memory_space<hbm>>
    %dma_start3A_24 = tpu.memref_squeeze %dma_start3A_23 : memref<1x64xi32, #tpu.memory_space<hbm>> -> memref<64xi32, #tpu.memory_space<hbm>>
    %dma_start3A_25 = tpu.memref_slice %arg9[%dma_start3A_19] : memref<2x!tpu.dma_semaphore, #tpu.memory_space<semaphore_mem>> -> memref<1x!tpu.dma_semaphore, #tpu.memory_space<semaphore_mem>>
    %dma_start3A_26 = tpu.memref_squeeze %dma_start3A_25 : memref<1x!tpu.dma_semaphore, #tpu.memory_space<semaphore_mem>> -> memref<!tpu.dma_semaphore, #tpu.memory_space<semaphore_mem>>
    %dma_start3A_27 = arith.constant 0 : i32
    %dma_start3A_28 = tpu.memref_slice %arg6[%dma_start3A_18, %dma_start3A_27] : memref<4x64xi32, #tpu.memory_space<vmem>> -> memref<1x64xi32, #tpu.memory_space<vmem>>
    %dma_start3A_29 = tpu.memref_squeeze %dma_start3A_28 : memref<1x64xi32, #tpu.memory_space<vmem>> -> memref<64xi32, #tpu.memory_space<vmem>>
    %dma_start3A_30 = tpu.memref_slice %arg2[%dma_start3A_17, %mul3A_2] : memref<4x2048xi32, #tpu.memory_space<hbm>> -> memref<1x64xi32, #tpu.memory_space<hbm>>
    %dma_start3A_31 = tpu.memref_squeeze %dma_start3A_30 : memref<1x64xi32, #tpu.memory_space<hbm>> -> memref<64xi32, #tpu.memory_space<hbm>>
    tpu.enqueue_dma source(%dma_start3A_31 : memref<64xi32, #tpu.memory_space<hbm>>) target(%dma_start3A_29 : memref<64xi32, #tpu.memory_space<vmem>>) target_semaphore(%dma_start3A_26 : memref<!tpu.dma_semaphore, #tpu.memory_space<semaphore_mem>>)
    %dma_start3A_32 = arith.constant 2 : i32
    %dma_start3A_33 = arith.constant 2 : i32
    %dma_start3A_34 = arith.constant 1 : i32
    %dma_start3A_35 = arith.constant 0 : i32
    %dma_start3A_36 = tpu.memref_slice %arg6[%dma_start3A_33, %dma_start3A_35] : memref<4x64xi32, #tpu.memory_space<vmem>> -> memref<1x64xi32, #tpu.memory_space<vmem>>
    %dma_start3A_37 = tpu.memref_squeeze %dma_start3A_36 : memref<1x64xi32, #tpu.memory_space<vmem>> -> memref<64xi32, #tpu.memory_space<vmem>>
    %dma_start3A_38 = tpu.memref_slice %arg2[%dma_start3A_32, %mul3A_2] : memref<4x2048xi32, #tpu.memory_space<hbm>> -> memref<1x64xi32, #tpu.memory_space<hbm>>
    %dma_start3A_39 = tpu.memref_squeeze %dma_start3A_38 : memref<1x64xi32, #tpu.memory_space<hbm>> -> memref<64xi32, #tpu.memory_space<hbm>>
    %dma_start3A_40 = tpu.memref_slice %arg9[%dma_start3A_34] : memref<2x!tpu.dma_semaphore, #tpu.memory_space<semaphore_mem>> -> memref<1x!tpu.dma_semaphore, #tpu.memory_space<semaphore_mem>>
    %dma_start3A_41 = tpu.memref_squeeze %dma_start3A_40 : memref<1x!tpu.dma_semaphore, #tpu.memory_space<semaphore_mem>> -> memref<!tpu.dma_semaphore, #tpu.memory_space<semaphore_mem>>
    %dma_start3A_42 = arith.constant 0 : i32
    %dma_start3A_43 = tpu.memref_slice %arg6[%dma_start3A_33, %dma_start3A_42] : memref<4x64xi32, #tpu.memory_space<vmem>> -> memref<1x64xi32, #tpu.memory_space<vmem>>
    %dma_start3A_44 = tpu.memref_squeeze %dma_start3A_43 : memref<1x64xi32, #tpu.memory_space<vmem>> -> memref<64xi32, #tpu.memory_space<vmem>>
    %dma_start3A_45 = tpu.memref_slice %arg2[%dma_start3A_32, %mul3A_2] : memref<4x2048xi32, #tpu.memory_space<hbm>> -> memref<1x64xi32, #tpu.memory_space<hbm>>
    %dma_start3A_46 = tpu.memref_squeeze %dma_start3A_45 : memref<1x64xi32, #tpu.memory_space<hbm>> -> memref<64xi32, #tpu.memory_space<hbm>>
    tpu.enqueue_dma source(%dma_start3A_46 : memref<64xi32, #tpu.memory_space<hbm>>) target(%dma_start3A_44 : memref<64xi32, #tpu.memory_space<vmem>>) target_semaphore(%dma_start3A_41 : memref<!tpu.dma_semaphore, #tpu.memory_space<semaphore_mem>>)
    %dma_start3A_47 = arith.constant 3 : i32
    %dma_start3A_48 = arith.constant 3 : i32
    %dma_start3A_49 = arith.constant 1 : i32
    %dma_start3A_50 = arith.constant 0 : i32
    %dma_start3A_51 = tpu.memref_slice %arg6[%dma_start3A_48, %dma_start3A_50] : memref<4x64xi32, #tpu.memory_space<vmem>> -> memref<1x64xi32, #tpu.memory_space<vmem>>
    %dma_start3A_52 = tpu.memref_squeeze %dma_start3A_51 : memref<1x64xi32, #tpu.memory_space<vmem>> -> memref<64xi32, #tpu.memory_space<vmem>>
    %dma_start3A_53 = tpu.memref_slice %arg2[%dma_start3A_47, %mul3A_2] : memref<4x2048xi32, #tpu.memory_space<hbm>> -> memref<1x64xi32, #tpu.memory_space<hbm>>
    %dma_start3A_54 = tpu.memref_squeeze %dma_start3A_53 : memref<1x64xi32, #tpu.memory_space<hbm>> -> memref<64xi32, #tpu.memory_space<hbm>>
    %dma_start3A_55 = tpu.memref_slice %arg9[%dma_start3A_49] : memref<2x!tpu.dma_semaphore, #tpu.memory_space<semaphore_mem>> -> memref<1x!tpu.dma_semaphore, #tpu.memory_space<semaphore_mem>>
    %dma_start3A_56 = tpu.memref_squeeze %dma_start3A_55 : memref<1x!tpu.dma_semaphore, #tpu.memory_space<semaphore_mem>> -> memref<!tpu.dma_semaphore, #tpu.memory_space<semaphore_mem>>
    %dma_start3A_57 = arith.constant 0 : i32
    %dma_start3A_58 = tpu.memref_slice %arg6[%dma_start3A_48, %dma_start3A_57] : memref<4x64xi32, #tpu.memory_space<vmem>> -> memref<1x64xi32, #tpu.memory_space<vmem>>
    %dma_start3A_59 = tpu.memref_squeeze %dma_start3A_58 : memref<1x64xi32, #tpu.memory_space<vmem>> -> memref<64xi32, #tpu.memory_space<vmem>>
    %dma_start3A_60 = tpu.memref_slice %arg2[%dma_start3A_47, %mul3A_2] : memref<4x2048xi32, #tpu.memory_space<hbm>> -> memref<1x64xi32, #tpu.memory_space<hbm>>
    %dma_start3A_61 = tpu.memref_squeeze %dma_start3A_60 : memref<1x64xi32, #tpu.memory_space<hbm>> -> memref<64xi32, #tpu.memory_space<hbm>>
    tpu.enqueue_dma source(%dma_start3A_61 : memref<64xi32, #tpu.memory_space<hbm>>) target(%dma_start3A_59 : memref<64xi32, #tpu.memory_space<vmem>>) target_semaphore(%dma_start3A_56 : memref<!tpu.dma_semaphore, #tpu.memory_space<semaphore_mem>>)
    %dma_wait3A = arith.constant 0 : i32
    %dma_wait3A_62 = arith.constant 0 : i32
    %dma_wait3A_63 = arith.constant 0 : i32
    %dma_wait3A_64 = arith.constant 0 : i32
    %dma_wait3A_65 = tpu.memref_slice %arg6[%dma_wait3A_62, %dma_wait3A_64] : memref<4x64xi32, #tpu.memory_space<vmem>> -> memref<1x64xi32, #tpu.memory_space<vmem>>
    %dma_wait3A_66 = tpu.memref_squeeze %dma_wait3A_65 : memref<1x64xi32, #tpu.memory_space<vmem>> -> memref<64xi32, #tpu.memory_space<vmem>>
    %dma_wait3A_67 = tpu.memref_slice %arg2[%dma_wait3A, %mul3A_2] : memref<4x2048xi32, #tpu.memory_space<hbm>> -> memref<1x64xi32, #tpu.memory_space<hbm>>
    %dma_wait3A_68 = tpu.memref_squeeze %dma_wait3A_67 : memref<1x64xi32, #tpu.memory_space<hbm>> -> memref<64xi32, #tpu.memory_space<hbm>>
    %dma_wait3A_69 = tpu.memref_slice %arg9[%dma_wait3A_63] : memref<2x!tpu.dma_semaphore, #tpu.memory_space<semaphore_mem>> -> memref<1x!tpu.dma_semaphore, #tpu.memory_space<semaphore_mem>>
    %dma_wait3A_70 = tpu.memref_squeeze %dma_wait3A_69 : memref<1x!tpu.dma_semaphore, #tpu.memory_space<semaphore_mem>> -> memref<!tpu.dma_semaphore, #tpu.memory_space<semaphore_mem>>
    %dma_wait3A_71 = arith.constant 0 : i32
    %dma_wait3A_72 = tpu.memref_slice %arg6[%dma_wait3A_62, %dma_wait3A_71] : memref<4x64xi32, #tpu.memory_space<vmem>> -> memref<1x64xi32, #tpu.memory_space<vmem>>
    %dma_wait3A_73 = tpu.memref_squeeze %dma_wait3A_72 : memref<1x64xi32, #tpu.memory_space<vmem>> -> memref<64xi32, #tpu.memory_space<vmem>>
    %dma_wait3A_74 = tpu.memref_slice %arg2[%dma_wait3A, %mul3A_2] : memref<4x2048xi32, #tpu.memory_space<hbm>> -> memref<1x64xi32, #tpu.memory_space<hbm>>
    %dma_wait3A_75 = tpu.memref_squeeze %dma_wait3A_74 : memref<1x64xi32, #tpu.memory_space<hbm>> -> memref<64xi32, #tpu.memory_space<hbm>>
    tpu.wait_dma2 semaphore(%dma_wait3A_70 : memref<!tpu.dma_semaphore, #tpu.memory_space<semaphore_mem>>) src(%dma_wait3A_75 : memref<64xi32, #tpu.memory_space<hbm>>) dst(%dma_wait3A_73 : memref<64xi32, #tpu.memory_space<vmem>>)
    %dma_start3A_76 = arith.constant 0 : i32
    %dma_start3A_77 = arith.constant 0 : i32
    %dma_start3A_78 = arith.constant 0 : i32
    %dma_start3A_79 = arith.constant 0 : i32
    %dma_start3A_80 = arith.constant 0 : i32
    %dma_start3A_81 = tpu.memref_slice %arg8[%dma_start3A_77, %dma_start3A_79, %dma_start3A_80] : memref<6x16x768xf32, #tpu.memory_space<vmem>> -> memref<1x16x768xf32, #tpu.memory_space<vmem>>
    %dma_start3A_82 = tpu.memref_squeeze %dma_start3A_81 : memref<1x16x768xf32, #tpu.memory_space<vmem>> -> memref<16x768xf32, #tpu.memory_space<vmem>>
    %dma_start3A_83 = arith.constant 0 : i32
    %dma_start3A_84 = tpu.memref_slice %arg6[%dma_start3A_76, %dma_start3A_83] : memref<4x64xi32, #tpu.memory_space<vmem>> -> memref<1x16xi32, #tpu.memory_space<vmem>>
    %dma_start3A_85 = tpu.memref_squeeze %dma_start3A_84 : memref<1x16xi32, #tpu.memory_space<vmem>> -> memref<16xi32, #tpu.memory_space<vmem>>
    %dma_start3A_86 = arith.constant 0 : i32
    %dma_start3A_87 = arith.constant 0 : i32
    %dma_start3A_88 = tpu.memref_slice %arg3[%dma_start3A_86, %dma_start3A_87] : memref<100000x768xf32, #tpu.memory_space<hbm>> -> memref<100000x768xf32, #tpu.memory_space<hbm>>
    %dma_start3A_89 = tpu.memref_slice %arg11[%dma_start3A_78] : memref<6x!tpu.dma_semaphore, #tpu.memory_space<semaphore_mem>> -> memref<1x!tpu.dma_semaphore, #tpu.memory_space<semaphore_mem>>
    %dma_start3A_90 = tpu.memref_squeeze %dma_start3A_89 : memref<1x!tpu.dma_semaphore, #tpu.memory_space<semaphore_mem>> -> memref<!tpu.dma_semaphore, #tpu.memory_space<semaphore_mem>>
    tpu.enqueue_indirect_dma source(%dma_start3A_88 : memref<100000x768xf32, #tpu.memory_space<hbm>>) target(%dma_start3A_82 : memref<16x768xf32, #tpu.memory_space<vmem>>) offsets(%dma_start3A_85 : memref<16xi32, #tpu.memory_space<vmem>>) semaphore(%dma_start3A_90 : memref<!tpu.dma_semaphore, #tpu.memory_space<semaphore_mem>>)
    %add3A_91 = arith.constant 0 : i32
    %add3A_92 = arith.addi %mul3A_2, %add3A_91 : i32
    %dma_start3A_93 = arith.constant 0 : i32
    %dma_start3A_94 = arith.constant 0 : i32
    %dma_start3A_95 = arith.constant 0 : i32
    %dma_start3A_96 = tpu.memref_slice %arg7[%dma_start3A_94, %dma_start3A_95] : memref<64x768xf32, #tpu.memory_space<vmem>> -> memref<16x768xf32, #tpu.memory_space<vmem>>
    %dma_start3A_97 = arith.constant 0 : i32
    %dma_start3A_98 = tpu.memref_slice %arg4[%add3A_92, %dma_start3A_97] : memref<2048x768xf32, #tpu.memory_space<hbm>> -> memref<16x768xf32, #tpu.memory_space<hbm>>
    %dma_start3A_99 = tpu.memref_slice %arg10[%dma_start3A_93] : memref<4x!tpu.dma_semaphore, #tpu.memory_space<semaphore_mem>> -> memref<1x!tpu.dma_semaphore, #tpu.memory_space<semaphore_mem>>
    %dma_start3A_100 = tpu.memref_squeeze %dma_start3A_99 : memref<1x!tpu.dma_semaphore, #tpu.memory_space<semaphore_mem>> -> memref<!tpu.dma_semaphore, #tpu.memory_space<semaphore_mem>>
    %dma_start3A_101 = arith.constant 0 : i32
    %dma_start3A_102 = arith.constant 0 : i32
    %dma_start3A_103 = tpu.memref_slice %arg7[%dma_start3A_101, %dma_start3A_102] : memref<64x768xf32, #tpu.memory_space<vmem>> -> memref<16x768xf32, #tpu.memory_space<vmem>>
    %dma_start3A_104 = arith.constant 0 : i32
    %dma_start3A_105 = tpu.memref_slice %arg4[%add3A_92, %dma_start3A_104] : memref<2048x768xf32, #tpu.memory_space<hbm>> -> memref<16x768xf32, #tpu.memory_space<hbm>>
    tpu.enqueue_dma source(%dma_start3A_105 : memref<16x768xf32, #tpu.memory_space<hbm>>) target(%dma_start3A_103 : memref<16x768xf32, #tpu.memory_space<vmem>>) target_semaphore(%dma_start3A_100 : memref<!tpu.dma_semaphore, #tpu.memory_space<semaphore_mem>>)
    %dma_start3A_106 = arith.constant 0 : i32
    %dma_start3A_107 = arith.constant 1 : i32
    %dma_start3A_108 = arith.constant 1 : i32
    %dma_start3A_109 = arith.constant 0 : i32
    %dma_start3A_110 = arith.constant 0 : i32
    %dma_start3A_111 = tpu.memref_slice %arg8[%dma_start3A_107, %dma_start3A_109, %dma_start3A_110] : memref<6x16x768xf32, #tpu.memory_space<vmem>> -> memref<1x16x768xf32, #tpu.memory_space<vmem>>
    %dma_start3A_112 = tpu.memref_squeeze %dma_start3A_111 : memref<1x16x768xf32, #tpu.memory_space<vmem>> -> memref<16x768xf32, #tpu.memory_space<vmem>>
    %dma_start3A_113 = arith.constant 16 : i32
    %dma_start3A_114 = tpu.memref_slice %arg6[%dma_start3A_106, %dma_start3A_113] : memref<4x64xi32, #tpu.memory_space<vmem>> -> memref<1x16xi32, #tpu.memory_space<vmem>>
    %dma_start3A_115 = tpu.memref_squeeze %dma_start3A_114 : memref<1x16xi32, #tpu.memory_space<vmem>> -> memref<16xi32, #tpu.memory_space<vmem>>
    %dma_start3A_116 = arith.constant 0 : i32
    %dma_start3A_117 = arith.constant 0 : i32
    %dma_start3A_118 = tpu.memref_slice %arg3[%dma_start3A_116, %dma_start3A_117] : memref<100000x768xf32, #tpu.memory_space<hbm>> -> memref<100000x768xf32, #tpu.memory_space<hbm>>
    %dma_start3A_119 = tpu.memref_slice %arg11[%dma_start3A_108] : memref<6x!tpu.dma_semaphore, #tpu.memory_space<semaphore_mem>> -> memref<1x!tpu.dma_semaphore, #tpu.memory_space<semaphore_mem>>
    %dma_start3A_120 = tpu.memref_squeeze %dma_start3A_119 : memref<1x!tpu.dma_semaphore, #tpu.memory_space<semaphore_mem>> -> memref<!tpu.dma_semaphore, #tpu.memory_space<semaphore_mem>>
    tpu.enqueue_indirect_dma source(%dma_start3A_118 : memref<100000x768xf32, #tpu.memory_space<hbm>>) target(%dma_start3A_112 : memref<16x768xf32, #tpu.memory_space<vmem>>) offsets(%dma_start3A_115 : memref<16xi32, #tpu.memory_space<vmem>>) semaphore(%dma_start3A_120 : memref<!tpu.dma_semaphore, #tpu.memory_space<semaphore_mem>>)
    %add3A_121 = arith.constant 16 : i32
    %add3A_122 = arith.addi %mul3A_2, %add3A_121 : i32
    %dma_start3A_123 = arith.constant 1 : i32
    %dma_start3A_124 = arith.constant 16 : i32
    %dma_start3A_125 = arith.constant 0 : i32
    %dma_start3A_126 = tpu.memref_slice %arg7[%dma_start3A_124, %dma_start3A_125] : memref<64x768xf32, #tpu.memory_space<vmem>> -> memref<16x768xf32, #tpu.memory_space<vmem>>
    %dma_start3A_127 = arith.constant 0 : i32
    %dma_start3A_128 = tpu.memref_slice %arg4[%add3A_122, %dma_start3A_127] : memref<2048x768xf32, #tpu.memory_space<hbm>> -> memref<16x768xf32, #tpu.memory_space<hbm>>
    %dma_start3A_129 = tpu.memref_slice %arg10[%dma_start3A_123] : memref<4x!tpu.dma_semaphore, #tpu.memory_space<semaphore_mem>> -> memref<1x!tpu.dma_semaphore, #tpu.memory_space<semaphore_mem>>
    %dma_start3A_130 = tpu.memref_squeeze %dma_start3A_129 : memref<1x!tpu.dma_semaphore, #tpu.memory_space<semaphore_mem>> -> memref<!tpu.dma_semaphore, #tpu.memory_space<semaphore_mem>>
    %dma_start3A_131 = arith.constant 16 : i32
    %dma_start3A_132 = arith.constant 0 : i32
    %dma_start3A_133 = tpu.memref_slice %arg7[%dma_start3A_131, %dma_start3A_132] : memref<64x768xf32, #tpu.memory_space<vmem>> -> memref<16x768xf32, #tpu.memory_space<vmem>>
    %dma_start3A_134 = arith.constant 0 : i32
    %dma_start3A_135 = tpu.memref_slice %arg4[%add3A_122, %dma_start3A_134] : memref<2048x768xf32, #tpu.memory_space<hbm>> -> memref<16x768xf32, #tpu.memory_space<hbm>>
    tpu.enqueue_dma source(%dma_start3A_135 : memref<16x768xf32, #tpu.memory_space<hbm>>) target(%dma_start3A_133 : memref<16x768xf32, #tpu.memory_space<vmem>>) target_semaphore(%dma_start3A_130 : memref<!tpu.dma_semaphore, #tpu.memory_space<semaphore_mem>>)
    %dma_start3A_136 = arith.constant 0 : i32
    %dma_start3A_137 = arith.constant 2 : i32
    %dma_start3A_138 = arith.constant 2 : i32
    %dma_start3A_139 = arith.constant 0 : i32
    %dma_start3A_140 = arith.constant 0 : i32
    %dma_start3A_141 = tpu.memref_slice %arg8[%dma_start3A_137, %dma_start3A_139, %dma_start3A_140] : memref<6x16x768xf32, #tpu.memory_space<vmem>> -> memref<1x16x768xf32, #tpu.memory_space<vmem>>
    %dma_start3A_142 = tpu.memref_squeeze %dma_start3A_141 : memref<1x16x768xf32, #tpu.memory_space<vmem>> -> memref<16x768xf32, #tpu.memory_space<vmem>>
    %dma_start3A_143 = arith.constant 32 : i32
    %dma_start3A_144 = tpu.memref_slice %arg6[%dma_start3A_136, %dma_start3A_143] : memref<4x64xi32, #tpu.memory_space<vmem>> -> memref<1x16xi32, #tpu.memory_space<vmem>>
    %dma_start3A_145 = tpu.memref_squeeze %dma_start3A_144 : memref<1x16xi32, #tpu.memory_space<vmem>> -> memref<16xi32, #tpu.memory_space<vmem>>
    %dma_start3A_146 = arith.constant 0 : i32
    %dma_start3A_147 = arith.constant 0 : i32
    %dma_start3A_148 = tpu.memref_slice %arg3[%dma_start3A_146, %dma_start3A_147] : memref<100000x768xf32, #tpu.memory_space<hbm>> -> memref<100000x768xf32, #tpu.memory_space<hbm>>
    %dma_start3A_149 = tpu.memref_slice %arg11[%dma_start3A_138] : memref<6x!tpu.dma_semaphore, #tpu.memory_space<semaphore_mem>> -> memref<1x!tpu.dma_semaphore, #tpu.memory_space<semaphore_mem>>
    %dma_start3A_150 = tpu.memref_squeeze %dma_start3A_149 : memref<1x!tpu.dma_semaphore, #tpu.memory_space<semaphore_mem>> -> memref<!tpu.dma_semaphore, #tpu.memory_space<semaphore_mem>>
    tpu.enqueue_indirect_dma source(%dma_start3A_148 : memref<100000x768xf32, #tpu.memory_space<hbm>>) target(%dma_start3A_142 : memref<16x768xf32, #tpu.memory_space<vmem>>) offsets(%dma_start3A_145 : memref<16xi32, #tpu.memory_space<vmem>>) semaphore(%dma_start3A_150 : memref<!tpu.dma_semaphore, #tpu.memory_space<semaphore_mem>>)
    %add3A_151 = arith.constant 32 : i32
    %add3A_152 = arith.addi %mul3A_2, %add3A_151 : i32
    %dma_start3A_153 = arith.constant 2 : i32
    %dma_start3A_154 = arith.constant 32 : i32
    %dma_start3A_155 = arith.constant 0 : i32
    %dma_start3A_156 = tpu.memref_slice %arg7[%dma_start3A_154, %dma_start3A_155] : memref<64x768xf32, #tpu.memory_space<vmem>> -> memref<16x768xf32, #tpu.memory_space<vmem>>
    %dma_start3A_157 = arith.constant 0 : i32
    %dma_start3A_158 = tpu.memref_slice %arg4[%add3A_152, %dma_start3A_157] : memref<2048x768xf32, #tpu.memory_space<hbm>> -> memref<16x768xf32, #tpu.memory_space<hbm>>
    %dma_start3A_159 = tpu.memref_slice %arg10[%dma_start3A_153] : memref<4x!tpu.dma_semaphore, #tpu.memory_space<semaphore_mem>> -> memref<1x!tpu.dma_semaphore, #tpu.memory_space<semaphore_mem>>
    %dma_start3A_160 = tpu.memref_squeeze %dma_start3A_159 : memref<1x!tpu.dma_semaphore, #tpu.memory_space<semaphore_mem>> -> memref<!tpu.dma_semaphore, #tpu.memory_space<semaphore_mem>>
    %dma_start3A_161 = arith.constant 32 : i32
    %dma_start3A_162 = arith.constant 0 : i32
    %dma_start3A_163 = tpu.memref_slice %arg7[%dma_start3A_161, %dma_start3A_162] : memref<64x768xf32, #tpu.memory_space<vmem>> -> memref<16x768xf32, #tpu.memory_space<vmem>>
    %dma_start3A_164 = arith.constant 0 : i32
    %dma_start3A_165 = tpu.memref_slice %arg4[%add3A_152, %dma_start3A_164] : memref<2048x768xf32, #tpu.memory_space<hbm>> -> memref<16x768xf32, #tpu.memory_space<hbm>>
    tpu.enqueue_dma source(%dma_start3A_165 : memref<16x768xf32, #tpu.memory_space<hbm>>) target(%dma_start3A_163 : memref<16x768xf32, #tpu.memory_space<vmem>>) target_semaphore(%dma_start3A_160 : memref<!tpu.dma_semaphore, #tpu.memory_space<semaphore_mem>>)
    %dma_start3A_166 = arith.constant 0 : i32
    %dma_start3A_167 = arith.constant 3 : i32
    %dma_start3A_168 = arith.constant 3 : i32
    %dma_start3A_169 = arith.constant 0 : i32
    %dma_start3A_170 = arith.constant 0 : i32
    %dma_start3A_171 = tpu.memref_slice %arg8[%dma_start3A_167, %dma_start3A_169, %dma_start3A_170] : memref<6x16x768xf32, #tpu.memory_space<vmem>> -> memref<1x16x768xf32, #tpu.memory_space<vmem>>
    %dma_start3A_172 = tpu.memref_squeeze %dma_start3A_171 : memref<1x16x768xf32, #tpu.memory_space<vmem>> -> memref<16x768xf32, #tpu.memory_space<vmem>>
    %dma_start3A_173 = arith.constant 48 : i32
    %dma_start3A_174 = tpu.memref_slice %arg6[%dma_start3A_166, %dma_start3A_173] : memref<4x64xi32, #tpu.memory_space<vmem>> -> memref<1x16xi32, #tpu.memory_space<vmem>>
    %dma_start3A_175 = tpu.memref_squeeze %dma_start3A_174 : memref<1x16xi32, #tpu.memory_space<vmem>> -> memref<16xi32, #tpu.memory_space<vmem>>
    %dma_start3A_176 = arith.constant 0 : i32
    %dma_start3A_177 = arith.constant 0 : i32
    %dma_start3A_178 = tpu.memref_slice %arg3[%dma_start3A_176, %dma_start3A_177] : memref<100000x768xf32, #tpu.memory_space<hbm>> -> memref<100000x768xf32, #tpu.memory_space<hbm>>
    %dma_start3A_179 = tpu.memref_slice %arg11[%dma_start3A_168] : memref<6x!tpu.dma_semaphore, #tpu.memory_space<semaphore_mem>> -> memref<1x!tpu.dma_semaphore, #tpu.memory_space<semaphore_mem>>
    %dma_start3A_180 = tpu.memref_squeeze %dma_start3A_179 : memref<1x!tpu.dma_semaphore, #tpu.memory_space<semaphore_mem>> -> memref<!tpu.dma_semaphore, #tpu.memory_space<semaphore_mem>>
    tpu.enqueue_indirect_dma source(%dma_start3A_178 : memref<100000x768xf32, #tpu.memory_space<hbm>>) target(%dma_start3A_172 : memref<16x768xf32, #tpu.memory_space<vmem>>) offsets(%dma_start3A_175 : memref<16xi32, #tpu.memory_space<vmem>>) semaphore(%dma_start3A_180 : memref<!tpu.dma_semaphore, #tpu.memory_space<semaphore_mem>>)
    %add3A_181 = arith.constant 48 : i32
    %add3A_182 = arith.addi %mul3A_2, %add3A_181 : i32
    %dma_start3A_183 = arith.constant 3 : i32
    %dma_start3A_184 = arith.constant 48 : i32
    %dma_start3A_185 = arith.constant 0 : i32
    %dma_start3A_186 = tpu.memref_slice %arg7[%dma_start3A_184, %dma_start3A_185] : memref<64x768xf32, #tpu.memory_space<vmem>> -> memref<16x768xf32, #tpu.memory_space<vmem>>
    %dma_start3A_187 = arith.constant 0 : i32
    %dma_start3A_188 = tpu.memref_slice %arg4[%add3A_182, %dma_start3A_187] : memref<2048x768xf32, #tpu.memory_space<hbm>> -> memref<16x768xf32, #tpu.memory_space<hbm>>
    %dma_start3A_189 = tpu.memref_slice %arg10[%dma_start3A_183] : memref<4x!tpu.dma_semaphore, #tpu.memory_space<semaphore_mem>> -> memref<1x!tpu.dma_semaphore, #tpu.memory_space<semaphore_mem>>
    %dma_start3A_190 = tpu.memref_squeeze %dma_start3A_189 : memref<1x!tpu.dma_semaphore, #tpu.memory_space<semaphore_mem>> -> memref<!tpu.dma_semaphore, #tpu.memory_space<semaphore_mem>>
    %dma_start3A_191 = arith.constant 48 : i32
    %dma_start3A_192 = arith.constant 0 : i32
    %dma_start3A_193 = tpu.memref_slice %arg7[%dma_start3A_191, %dma_start3A_192] : memref<64x768xf32, #tpu.memory_space<vmem>> -> memref<16x768xf32, #tpu.memory_space<vmem>>
    %dma_start3A_194 = arith.constant 0 : i32
    %dma_start3A_195 = tpu.memref_slice %arg4[%add3A_182, %dma_start3A_194] : memref<2048x768xf32, #tpu.memory_space<hbm>> -> memref<16x768xf32, #tpu.memory_space<hbm>>
    tpu.enqueue_dma source(%dma_start3A_195 : memref<16x768xf32, #tpu.memory_space<hbm>>) target(%dma_start3A_193 : memref<16x768xf32, #tpu.memory_space<vmem>>) target_semaphore(%dma_start3A_190 : memref<!tpu.dma_semaphore, #tpu.memory_space<semaphore_mem>>)
    %dma_wait3A_196 = arith.constant 1 : i32
    %dma_wait3A_197 = arith.constant 1 : i32
    %dma_wait3A_198 = arith.constant 1 : i32
    %dma_wait3A_199 = arith.constant 0 : i32
    %dma_wait3A_200 = tpu.memref_slice %arg6[%dma_wait3A_197, %dma_wait3A_199] : memref<4x64xi32, #tpu.memory_space<vmem>> -> memref<1x64xi32, #tpu.memory_space<vmem>>
    %dma_wait3A_201 = tpu.memref_squeeze %dma_wait3A_200 : memref<1x64xi32, #tpu.memory_space<vmem>> -> memref<64xi32, #tpu.memory_space<vmem>>
    %dma_wait3A_202 = tpu.memref_slice %arg2[%dma_wait3A_196, %mul3A_2] : memref<4x2048xi32, #tpu.memory_space<hbm>> -> memref<1x64xi32, #tpu.memory_space<hbm>>
    %dma_wait3A_203 = tpu.memref_squeeze %dma_wait3A_202 : memref<1x64xi32, #tpu.memory_space<hbm>> -> memref<64xi32, #tpu.memory_space<hbm>>
    %dma_wait3A_204 = tpu.memref_slice %arg9[%dma_wait3A_198] : memref<2x!tpu.dma_semaphore, #tpu.memory_space<semaphore_mem>> -> memref<1x!tpu.dma_semaphore, #tpu.memory_space<semaphore_mem>>
    %dma_wait3A_205 = tpu.memref_squeeze %dma_wait3A_204 : memref<1x!tpu.dma_semaphore, #tpu.memory_space<semaphore_mem>> -> memref<!tpu.dma_semaphore, #tpu.memory_space<semaphore_mem>>
    %dma_wait3A_206 = arith.constant 0 : i32
    %dma_wait3A_207 = tpu.memref_slice %arg6[%dma_wait3A_197, %dma_wait3A_206] : memref<4x64xi32, #tpu.memory_space<vmem>> -> memref<1x64xi32, #tpu.memory_space<vmem>>
    %dma_wait3A_208 = tpu.memref_squeeze %dma_wait3A_207 : memref<1x64xi32, #tpu.memory_space<vmem>> -> memref<64xi32, #tpu.memory_space<vmem>>
    %dma_wait3A_209 = tpu.memref_slice %arg2[%dma_wait3A_196, %mul3A_2] : memref<4x2048xi32, #tpu.memory_space<hbm>> -> memref<1x64xi32, #tpu.memory_space<hbm>>
    %dma_wait3A_210 = tpu.memref_squeeze %dma_wait3A_209 : memref<1x64xi32, #tpu.memory_space<hbm>> -> memref<64xi32, #tpu.memory_space<hbm>>
    tpu.wait_dma2 semaphore(%dma_wait3A_205 : memref<!tpu.dma_semaphore, #tpu.memory_space<semaphore_mem>>) src(%dma_wait3A_210 : memref<64xi32, #tpu.memory_space<hbm>>) dst(%dma_wait3A_208 : memref<64xi32, #tpu.memory_space<vmem>>)
    %dma_wait3A_211 = arith.constant 2 : i32
    %dma_wait3A_212 = arith.constant 2 : i32
    %dma_wait3A_213 = arith.constant 1 : i32
    %dma_wait3A_214 = arith.constant 0 : i32
    %dma_wait3A_215 = tpu.memref_slice %arg6[%dma_wait3A_212, %dma_wait3A_214] : memref<4x64xi32, #tpu.memory_space<vmem>> -> memref<1x64xi32, #tpu.memory_space<vmem>>
    %dma_wait3A_216 = tpu.memref_squeeze %dma_wait3A_215 : memref<1x64xi32, #tpu.memory_space<vmem>> -> memref<64xi32, #tpu.memory_space<vmem>>
    %dma_wait3A_217 = tpu.memref_slice %arg2[%dma_wait3A_211, %mul3A_2] : memref<4x2048xi32, #tpu.memory_space<hbm>> -> memref<1x64xi32, #tpu.memory_space<hbm>>
    %dma_wait3A_218 = tpu.memref_squeeze %dma_wait3A_217 : memref<1x64xi32, #tpu.memory_space<hbm>> -> memref<64xi32, #tpu.memory_space<hbm>>
    %dma_wait3A_219 = tpu.memref_slice %arg9[%dma_wait3A_213] : memref<2x!tpu.dma_semaphore, #tpu.memory_space<semaphore_mem>> -> memref<1x!tpu.dma_semaphore, #tpu.memory_space<semaphore_mem>>
    %dma_wait3A_220 = tpu.memref_squeeze %dma_wait3A_219 : memref<1x!tpu.dma_semaphore, #tpu.memory_space<semaphore_mem>> -> memref<!tpu.dma_semaphore, #tpu.memory_space<semaphore_mem>>
    %dma_wait3A_221 = arith.constant 0 : i32
    %dma_wait3A_222 = tpu.memref_slice %arg6[%dma_wait3A_212, %dma_wait3A_221] : memref<4x64xi32, #tpu.memory_space<vmem>> -> memref<1x64xi32, #tpu.memory_space<vmem>>
    %dma_wait3A_223 = tpu.memref_squeeze %dma_wait3A_222 : memref<1x64xi32, #tpu.memory_space<vmem>> -> memref<64xi32, #tpu.memory_space<vmem>>
    %dma_wait3A_224 = tpu.memref_slice %arg2[%dma_wait3A_211, %mul3A_2] : memref<4x2048xi32, #tpu.memory_space<hbm>> -> memref<1x64xi32, #tpu.memory_space<hbm>>
    %dma_wait3A_225 = tpu.memref_squeeze %dma_wait3A_224 : memref<1x64xi32, #tpu.memory_space<hbm>> -> memref<64xi32, #tpu.memory_space<hbm>>
    tpu.wait_dma2 semaphore(%dma_wait3A_220 : memref<!tpu.dma_semaphore, #tpu.memory_space<semaphore_mem>>) src(%dma_wait3A_225 : memref<64xi32, #tpu.memory_space<hbm>>) dst(%dma_wait3A_223 : memref<64xi32, #tpu.memory_space<vmem>>)
    %dma_wait3A_226 = arith.constant 3 : i32
    %dma_wait3A_227 = arith.constant 3 : i32
    %dma_wait3A_228 = arith.constant 1 : i32
    %dma_wait3A_229 = arith.constant 0 : i32
    %dma_wait3A_230 = tpu.memref_slice %arg6[%dma_wait3A_227, %dma_wait3A_229] : memref<4x64xi32, #tpu.memory_space<vmem>> -> memref<1x64xi32, #tpu.memory_space<vmem>>
    %dma_wait3A_231 = tpu.memref_squeeze %dma_wait3A_230 : memref<1x64xi32, #tpu.memory_space<vmem>> -> memref<64xi32, #tpu.memory_space<vmem>>
    %dma_wait3A_232 = tpu.memref_slice %arg2[%dma_wait3A_226, %mul3A_2] : memref<4x2048xi32, #tpu.memory_space<hbm>> -> memref<1x64xi32, #tpu.memory_space<hbm>>
    %dma_wait3A_233 = tpu.memref_squeeze %dma_wait3A_232 : memref<1x64xi32, #tpu.memory_space<hbm>> -> memref<64xi32, #tpu.memory_space<hbm>>
    %dma_wait3A_234 = tpu.memref_slice %arg9[%dma_wait3A_228] : memref<2x!tpu.dma_semaphore, #tpu.memory_space<semaphore_mem>> -> memref<1x!tpu.dma_semaphore, #tpu.memory_space<semaphore_mem>>
    %dma_wait3A_235 = tpu.memref_squeeze %dma_wait3A_234 : memref<1x!tpu.dma_semaphore, #tpu.memory_space<semaphore_mem>> -> memref<!tpu.dma_semaphore, #tpu.memory_space<semaphore_mem>>
    %dma_wait3A_236 = arith.constant 0 : i32
    %dma_wait3A_237 = tpu.memref_slice %arg6[%dma_wait3A_227, %dma_wait3A_236] : memref<4x64xi32, #tpu.memory_space<vmem>> -> memref<1x64xi32, #tpu.memory_space<vmem>>
    %dma_wait3A_238 = tpu.memref_squeeze %dma_wait3A_237 : memref<1x64xi32, #tpu.memory_space<vmem>> -> memref<64xi32, #tpu.memory_space<vmem>>
    %dma_wait3A_239 = tpu.memref_slice %arg2[%dma_wait3A_226, %mul3A_2] : memref<4x2048xi32, #tpu.memory_space<hbm>> -> memref<1x64xi32, #tpu.memory_space<hbm>>
    %dma_wait3A_240 = tpu.memref_squeeze %dma_wait3A_239 : memref<1x64xi32, #tpu.memory_space<hbm>> -> memref<64xi32, #tpu.memory_space<hbm>>
    tpu.wait_dma2 semaphore(%dma_wait3A_235 : memref<!tpu.dma_semaphore, #tpu.memory_space<semaphore_mem>>) src(%dma_wait3A_240 : memref<64xi32, #tpu.memory_space<hbm>>) dst(%dma_wait3A_238 : memref<64xi32, #tpu.memory_space<vmem>>)
    %scan3A = arith.constant 0 : i32
    %scan3A_241 = arith.constant 16 : i32
    %scan3A_242 = arith.addi %scan3A, %scan3A_241 : i32
    %scan3A_243 = arith.constant 1 : i32
    scf.for %scan3A_371 = %scan3A to %scan3A_242 step %scan3A_243  : i32 {
      %mul3A_372 = arith.constant 1 : i32
      %mul3A_373 = arith.muli %scan3A_371, %mul3A_372 : i32
      %add3A_374 = arith.constant 0 : i32
      %add3A_375 = arith.addi %add3A_374, %mul3A_373 : i32
      %ge3A = arith.constant 2 : i32
      %ge3A_376 = arith.cmpi sge, %add3A_375, %ge3A : i32
      %lt3A = arith.constant 12 : i32
      %lt3A_377 = arith.cmpi slt, %add3A_375, %lt3A : i32
      %and3A = arith.andi %ge3A_376, %lt3A_377 : i1
      %convert_element_type3A = arith.extui %and3A : i1 to i32
      %cond3A = arith.constant 0 : i32
      %cond3A_378 = arith.cmpi ne, %convert_element_type3A, %cond3A : i32
      scf.if %cond3A_378 {
        %sub3A_559 = arith.constant 2 : i32
        %sub3A_560 = arith.subi %add3A_375, %sub3A_559 : i32
        %jit3A_561 = arith.constant 4 : i32
        %div3A_562 = arith.divsi %sub3A_560, %jit3A_561 : i32
        %sign3A_563 = arith.constant 0 : i32
        %sign3A_564 = arith.cmpi sgt, %sub3A_560, %sign3A_563 : i32
        %sign3A_565 = arith.extui %sign3A_564 : i1 to i32
        %sign3A_566 = arith.constant 0 : i32
        %sign3A_567 = arith.cmpi slt, %sub3A_560, %sign3A_566 : i32
        %sign3A_568 = arith.extui %sign3A_567 : i1 to i32
        %sign3A_569 = arith.subi %sign3A_565, %sign3A_568 : i32
        %sign3A_570 = arith.constant 0 : i32
        %sign3A_571 = arith.cmpi sgt, %jit3A_561, %sign3A_570 : i32
        %sign3A_572 = arith.extui %sign3A_571 : i1 to i32
        %sign3A_573 = arith.constant 0 : i32
        %sign3A_574 = arith.cmpi slt, %jit3A_561, %sign3A_573 : i32
        %sign3A_575 = arith.extui %sign3A_574 : i1 to i32
        %sign3A_576 = arith.subi %sign3A_572, %sign3A_575 : i32
        %ne3A_577 = arith.cmpi ne, %sign3A_569, %sign3A_576 : i32
        %rem3A_578 = arith.remsi %sub3A_560, %jit3A_561 : i32
        %ne3A_579 = arith.constant 0 : i32
        %ne3A_580 = arith.cmpi ne, %rem3A_578, %ne3A_579 : i32
        %and3A_581 = arith.andi %ne3A_577, %ne3A_580 : i1
        %sub3A_582 = arith.constant 1 : i32
        %sub3A_583 = arith.subi %div3A_562, %sub3A_582 : i32
        %select_n3A_584 = arith.select %and3A_581, %sub3A_583, %div3A_562 : i32
        %jit3A_585 = arith.constant 4 : i32
        %eq3A_586 = arith.constant 0 : i32
        %eq3A_587 = arith.cmpi eq, %jit3A_585, %eq3A_586 : i32
        %jit3A_588 = arith.constant 1 : i32
        %select_n3A_589 = arith.select %eq3A_587, %jit3A_588, %jit3A_585 : i32
        %rem3A_590 = arith.remsi %sub3A_560, %select_n3A_589 : i32
        %ne3A_591 = arith.constant 0 : i32
        %ne3A_592 = arith.cmpi ne, %rem3A_590, %ne3A_591 : i32
        %lt3A_593 = arith.constant 0 : i32
        %lt3A_594 = arith.cmpi slt, %rem3A_590, %lt3A_593 : i32
        %lt3A_595 = arith.constant 0 : i32
        %lt3A_596 = arith.cmpi slt, %select_n3A_589, %lt3A_595 : i32
        %ne3A_597 = arith.xori %lt3A_594, %lt3A_596 : i1
        %and3A_598 = arith.andi %ne3A_597, %ne3A_592 : i1
        %add3A_599 = arith.addi %rem3A_590, %select_n3A_589 : i32
        %select_n3A_600 = arith.select %and3A_598, %add3A_599, %rem3A_590 : i32
        %jit3A_601 = arith.constant 6 : i32
        %eq3A_602 = arith.constant 0 : i32
        %eq3A_603 = arith.cmpi eq, %jit3A_601, %eq3A_602 : i32
        %jit3A_604 = arith.constant 1 : i32
        %select_n3A_605 = arith.select %eq3A_603, %jit3A_604, %jit3A_601 : i32
        %rem3A_606 = arith.remsi %sub3A_560, %select_n3A_605 : i32
        %ne3A_607 = arith.constant 0 : i32
        %ne3A_608 = arith.cmpi ne, %rem3A_606, %ne3A_607 : i32
        %lt3A_609 = arith.constant 0 : i32
        %lt3A_610 = arith.cmpi slt, %rem3A_606, %lt3A_609 : i32
        %lt3A_611 = arith.constant 0 : i32
        %lt3A_612 = arith.cmpi slt, %select_n3A_605, %lt3A_611 : i32
        %ne3A_613 = arith.xori %lt3A_610, %lt3A_612 : i1
        %and3A_614 = arith.andi %ne3A_613, %ne3A_608 : i1
        %add3A_615 = arith.addi %rem3A_606, %select_n3A_605 : i32
        %select_n3A_616 = arith.select %and3A_614, %add3A_615, %rem3A_606 : i32
        %mul3A_617 = arith.constant 16 : i32
        %mul3A_618 = arith.muli %select_n3A_600, %mul3A_617 : i32
        %add3A_619 = arith.addi %mul3A_2, %mul3A_618 : i32
        %dma_wait3A_620 = arith.constant 0 : i32
        %dma_wait3A_621 = arith.constant 0 : i32
        %dma_wait3A_622 = tpu.memref_slice %arg8[%select_n3A_616, %dma_wait3A_620, %dma_wait3A_621] : memref<6x16x768xf32, #tpu.memory_space<vmem>> -> memref<1x16x768xf32, #tpu.memory_space<vmem>>
        %dma_wait3A_623 = tpu.memref_squeeze %dma_wait3A_622 : memref<1x16x768xf32, #tpu.memory_space<vmem>> -> memref<16x768xf32, #tpu.memory_space<vmem>>
        %dma_wait3A_624 = arith.constant 0 : i32
        %dma_wait3A_625 = tpu.memref_slice %arg5[%select_n3A_584, %add3A_619, %dma_wait3A_624] : memref<4x2048x768xf32, #tpu.memory_space<hbm>> -> memref<1x16x768xf32, #tpu.memory_space<hbm>>
        %dma_wait3A_626 = tpu.memref_squeeze %dma_wait3A_625 : memref<1x16x768xf32, #tpu.memory_space<hbm>> -> memref<16x768xf32, #tpu.memory_space<hbm>>
        %dma_wait3A_627 = tpu.memref_slice %arg12[%select_n3A_616] : memref<6x!tpu.dma_semaphore, #tpu.memory_space<semaphore_mem>> -> memref<1x!tpu.dma_semaphore, #tpu.memory_space<semaphore_mem>>
        %dma_wait3A_628 = tpu.memref_squeeze %dma_wait3A_627 : memref<1x!tpu.dma_semaphore, #tpu.memory_space<semaphore_mem>> -> memref<!tpu.dma_semaphore, #tpu.memory_space<semaphore_mem>>
        %dma_wait3A_629 = arith.constant 0 : i32
        %dma_wait3A_630 = tpu.memref_slice %arg5[%select_n3A_584, %add3A_619, %dma_wait3A_629] : memref<4x2048x768xf32, #tpu.memory_space<hbm>> -> memref<1x16x768xf32, #tpu.memory_space<hbm>>
        %dma_wait3A_631 = tpu.memref_squeeze %dma_wait3A_630 : memref<1x16x768xf32, #tpu.memory_space<hbm>> -> memref<16x768xf32, #tpu.memory_space<hbm>>
        %dma_wait3A_632 = arith.constant 0 : i32
        %dma_wait3A_633 = arith.constant 0 : i32
        %dma_wait3A_634 = tpu.memref_slice %arg8[%select_n3A_616, %dma_wait3A_632, %dma_wait3A_633] : memref<6x16x768xf32, #tpu.memory_space<vmem>> -> memref<1x16x768xf32, #tpu.memory_space<vmem>>
        %dma_wait3A_635 = tpu.memref_squeeze %dma_wait3A_634 : memref<1x16x768xf32, #tpu.memory_space<vmem>> -> memref<16x768xf32, #tpu.memory_space<vmem>>
        tpu.wait_dma2 semaphore(%dma_wait3A_628 : memref<!tpu.dma_semaphore, #tpu.memory_space<semaphore_mem>>) src(%dma_wait3A_635 : memref<16x768xf32, #tpu.memory_space<vmem>>) dst(%dma_wait3A_631 : memref<16x768xf32, #tpu.memory_space<hbm>>)
      } else {
      }
      %lt3A_379 = arith.constant 12 : i32
      %lt3A_380 = arith.cmpi slt, %add3A_375, %lt3A_379 : i32
      %convert_element_type3A_381 = arith.extui %lt3A_380 : i1 to i32
      %cond3A_382 = arith.constant 0 : i32
      %cond3A_383 = arith.cmpi ne, %convert_element_type3A_381, %cond3A_382 : i32
      scf.if %cond3A_383 {
        %add3A_559 = arith.constant 4 : i32
        %add3A_560 = arith.addi %add3A_375, %add3A_559 : i32
        %jit3A_561 = arith.constant 4 : i32
        %div3A_562 = arith.divsi %add3A_560, %jit3A_561 : i32
        %sign3A_563 = arith.constant 0 : i32
        %sign3A_564 = arith.cmpi sgt, %add3A_560, %sign3A_563 : i32
        %sign3A_565 = arith.extui %sign3A_564 : i1 to i32
        %sign3A_566 = arith.constant 0 : i32
        %sign3A_567 = arith.cmpi slt, %add3A_560, %sign3A_566 : i32
        %sign3A_568 = arith.extui %sign3A_567 : i1 to i32
        %sign3A_569 = arith.subi %sign3A_565, %sign3A_568 : i32
        %sign3A_570 = arith.constant 0 : i32
        %sign3A_571 = arith.cmpi sgt, %jit3A_561, %sign3A_570 : i32
        %sign3A_572 = arith.extui %sign3A_571 : i1 to i32
        %sign3A_573 = arith.constant 0 : i32
        %sign3A_574 = arith.cmpi slt, %jit3A_561, %sign3A_573 : i32
        %sign3A_575 = arith.extui %sign3A_574 : i1 to i32
        %sign3A_576 = arith.subi %sign3A_572, %sign3A_575 : i32
        %ne3A_577 = arith.cmpi ne, %sign3A_569, %sign3A_576 : i32
        %rem3A_578 = arith.remsi %add3A_560, %jit3A_561 : i32
        %ne3A_579 = arith.constant 0 : i32
        %ne3A_580 = arith.cmpi ne, %rem3A_578, %ne3A_579 : i32
        %and3A_581 = arith.andi %ne3A_577, %ne3A_580 : i1
        %sub3A_582 = arith.constant 1 : i32
        %sub3A_583 = arith.subi %div3A_562, %sub3A_582 : i32
        %select_n3A_584 = arith.select %and3A_581, %sub3A_583, %div3A_562 : i32
        %jit3A_585 = arith.constant 4 : i32
        %eq3A_586 = arith.constant 0 : i32
        %eq3A_587 = arith.cmpi eq, %jit3A_585, %eq3A_586 : i32
        %jit3A_588 = arith.constant 1 : i32
        %select_n3A_589 = arith.select %eq3A_587, %jit3A_588, %jit3A_585 : i32
        %rem3A_590 = arith.remsi %add3A_560, %select_n3A_589 : i32
        %ne3A_591 = arith.constant 0 : i32
        %ne3A_592 = arith.cmpi ne, %rem3A_590, %ne3A_591 : i32
        %lt3A_593 = arith.constant 0 : i32
        %lt3A_594 = arith.cmpi slt, %rem3A_590, %lt3A_593 : i32
        %lt3A_595 = arith.constant 0 : i32
        %lt3A_596 = arith.cmpi slt, %select_n3A_589, %lt3A_595 : i32
        %ne3A_597 = arith.xori %lt3A_594, %lt3A_596 : i1
        %and3A_598 = arith.andi %ne3A_597, %ne3A_592 : i1
        %add3A_599 = arith.addi %rem3A_590, %select_n3A_589 : i32
        %select_n3A_600 = arith.select %and3A_598, %add3A_599, %rem3A_590 : i32
        %jit3A_601 = arith.constant 6 : i32
        %eq3A_602 = arith.constant 0 : i32
        %eq3A_603 = arith.cmpi eq, %jit3A_601, %eq3A_602 : i32
        %jit3A_604 = arith.constant 1 : i32
        %select_n3A_605 = arith.select %eq3A_603, %jit3A_604, %jit3A_601 : i32
        %rem3A_606 = arith.remsi %add3A_560, %select_n3A_605 : i32
        %ne3A_607 = arith.constant 0 : i32
        %ne3A_608 = arith.cmpi ne, %rem3A_606, %ne3A_607 : i32
        %lt3A_609 = arith.constant 0 : i32
        %lt3A_610 = arith.cmpi slt, %rem3A_606, %lt3A_609 : i32
        %lt3A_611 = arith.constant 0 : i32
        %lt3A_612 = arith.cmpi slt, %select_n3A_605, %lt3A_611 : i32
        %ne3A_613 = arith.xori %lt3A_610, %lt3A_612 : i1
        %and3A_614 = arith.andi %ne3A_613, %ne3A_608 : i1
        %add3A_615 = arith.addi %rem3A_606, %select_n3A_605 : i32
        %select_n3A_616 = arith.select %and3A_614, %add3A_615, %rem3A_606 : i32
        %mul3A_617 = arith.constant 16 : i32
        %mul3A_618 = arith.muli %select_n3A_600, %mul3A_617 : i32
        %dma_start3A_619 = arith.constant 0 : i32
        %dma_start3A_620 = arith.constant 0 : i32
        %dma_start3A_621 = tpu.memref_slice %arg8[%select_n3A_616, %dma_start3A_619, %dma_start3A_620] : memref<6x16x768xf32, #tpu.memory_space<vmem>> -> memref<1x16x768xf32, #tpu.memory_space<vmem>>
        %dma_start3A_622 = tpu.memref_squeeze %dma_start3A_621 : memref<1x16x768xf32, #tpu.memory_space<vmem>> -> memref<16x768xf32, #tpu.memory_space<vmem>>
        %dma_start3A_623 = tpu.memref_slice %arg6[%select_n3A_584, %mul3A_618] : memref<4x64xi32, #tpu.memory_space<vmem>> -> memref<1x16xi32, #tpu.memory_space<vmem>>
        %dma_start3A_624 = tpu.memref_squeeze %dma_start3A_623 : memref<1x16xi32, #tpu.memory_space<vmem>> -> memref<16xi32, #tpu.memory_space<vmem>>
        %dma_start3A_625 = arith.constant 0 : i32
        %dma_start3A_626 = arith.constant 0 : i32
        %dma_start3A_627 = tpu.memref_slice %arg3[%dma_start3A_625, %dma_start3A_626] : memref<100000x768xf32, #tpu.memory_space<hbm>> -> memref<100000x768xf32, #tpu.memory_space<hbm>>
        %dma_start3A_628 = tpu.memref_slice %arg11[%select_n3A_616] : memref<6x!tpu.dma_semaphore, #tpu.memory_space<semaphore_mem>> -> memref<1x!tpu.dma_semaphore, #tpu.memory_space<semaphore_mem>>
        %dma_start3A_629 = tpu.memref_squeeze %dma_start3A_628 : memref<1x!tpu.dma_semaphore, #tpu.memory_space<semaphore_mem>> -> memref<!tpu.dma_semaphore, #tpu.memory_space<semaphore_mem>>
        tpu.enqueue_indirect_dma source(%dma_start3A_627 : memref<100000x768xf32, #tpu.memory_space<hbm>>) target(%dma_start3A_622 : memref<16x768xf32, #tpu.memory_space<vmem>>) offsets(%dma_start3A_624 : memref<16xi32, #tpu.memory_space<vmem>>) semaphore(%dma_start3A_629 : memref<!tpu.dma_semaphore, #tpu.memory_space<semaphore_mem>>)
      } else {
      }
      %jit3A = arith.constant 4 : i32
      %div3A = arith.divsi %add3A_375, %jit3A : i32
      %sign3A = arith.constant 0 : i32
      %sign3A_384 = arith.cmpi sgt, %add3A_375, %sign3A : i32
      %sign3A_385 = arith.extui %sign3A_384 : i1 to i32
      %sign3A_386 = arith.constant 0 : i32
      %sign3A_387 = arith.cmpi slt, %add3A_375, %sign3A_386 : i32
      %sign3A_388 = arith.extui %sign3A_387 : i1 to i32
      %sign3A_389 = arith.subi %sign3A_385, %sign3A_388 : i32
      %sign3A_390 = arith.constant 0 : i32
      %sign3A_391 = arith.cmpi sgt, %jit3A, %sign3A_390 : i32
      %sign3A_392 = arith.extui %sign3A_391 : i1 to i32
      %sign3A_393 = arith.constant 0 : i32
      %sign3A_394 = arith.cmpi slt, %jit3A, %sign3A_393 : i32
      %sign3A_395 = arith.extui %sign3A_394 : i1 to i32
      %sign3A_396 = arith.subi %sign3A_392, %sign3A_395 : i32
      %ne3A = arith.cmpi ne, %sign3A_389, %sign3A_396 : i32
      %rem3A = arith.remsi %add3A_375, %jit3A : i32
      %ne3A_397 = arith.constant 0 : i32
      %ne3A_398 = arith.cmpi ne, %rem3A, %ne3A_397 : i32
      %and3A_399 = arith.andi %ne3A, %ne3A_398 : i1
      %sub3A = arith.constant 1 : i32
      %sub3A_400 = arith.subi %div3A, %sub3A : i32
      %select_n3A = arith.select %and3A_399, %sub3A_400, %div3A : i32
      %jit3A_401 = arith.constant 4 : i32
      %eq3A = arith.constant 0 : i32
      %eq3A_402 = arith.cmpi eq, %jit3A_401, %eq3A : i32
      %jit3A_403 = arith.constant 1 : i32
      %select_n3A_404 = arith.select %eq3A_402, %jit3A_403, %jit3A_401 : i32
      %rem3A_405 = arith.remsi %add3A_375, %select_n3A_404 : i32
      %ne3A_406 = arith.constant 0 : i32
      %ne3A_407 = arith.cmpi ne, %rem3A_405, %ne3A_406 : i32
      %lt3A_408 = arith.constant 0 : i32
      %lt3A_409 = arith.cmpi slt, %rem3A_405, %lt3A_408 : i32
      %lt3A_410 = arith.constant 0 : i32
      %lt3A_411 = arith.cmpi slt, %select_n3A_404, %lt3A_410 : i32
      %ne3A_412 = arith.xori %lt3A_409, %lt3A_411 : i1
      %and3A_413 = arith.andi %ne3A_412, %ne3A_407 : i1
      %add3A_414 = arith.addi %rem3A_405, %select_n3A_404 : i32
      %select_n3A_415 = arith.select %and3A_413, %add3A_414, %rem3A_405 : i32
      %jit3A_416 = arith.constant 6 : i32
      %eq3A_417 = arith.constant 0 : i32
      %eq3A_418 = arith.cmpi eq, %jit3A_416, %eq3A_417 : i32
      %jit3A_419 = arith.constant 1 : i32
      %select_n3A_420 = arith.select %eq3A_418, %jit3A_419, %jit3A_416 : i32
      %rem3A_421 = arith.remsi %add3A_375, %select_n3A_420 : i32
      %ne3A_422 = arith.constant 0 : i32
      %ne3A_423 = arith.cmpi ne, %rem3A_421, %ne3A_422 : i32
      %lt3A_424 = arith.constant 0 : i32
      %lt3A_425 = arith.cmpi slt, %rem3A_421, %lt3A_424 : i32
      %lt3A_426 = arith.constant 0 : i32
      %lt3A_427 = arith.cmpi slt, %select_n3A_420, %lt3A_426 : i32
      %ne3A_428 = arith.xori %lt3A_425, %lt3A_427 : i1
      %and3A_429 = arith.andi %ne3A_428, %ne3A_423 : i1
      %add3A_430 = arith.addi %rem3A_421, %select_n3A_420 : i32
      %select_n3A_431 = arith.select %and3A_429, %add3A_430, %rem3A_421 : i32
      %mul3A_432 = arith.constant 16 : i32
      %mul3A_433 = arith.muli %select_n3A_415, %mul3A_432 : i32
      %dma_wait3A_434 = arith.constant 0 : i32
      %dma_wait3A_435 = arith.constant 0 : i32
      %dma_wait3A_436 = tpu.memref_slice %arg8[%select_n3A_431, %dma_wait3A_434, %dma_wait3A_435] : memref<6x16x768xf32, #tpu.memory_space<vmem>> -> memref<1x16x768xf32, #tpu.memory_space<vmem>>
      %dma_wait3A_437 = tpu.memref_squeeze %dma_wait3A_436 : memref<1x16x768xf32, #tpu.memory_space<vmem>> -> memref<16x768xf32, #tpu.memory_space<vmem>>
      %dma_wait3A_438 = tpu.memref_slice %arg6[%select_n3A, %mul3A_433] : memref<4x64xi32, #tpu.memory_space<vmem>> -> memref<1x16xi32, #tpu.memory_space<vmem>>
      %dma_wait3A_439 = tpu.memref_squeeze %dma_wait3A_438 : memref<1x16xi32, #tpu.memory_space<vmem>> -> memref<16xi32, #tpu.memory_space<vmem>>
      %dma_wait3A_440 = arith.constant 0 : i32
      %dma_wait3A_441 = arith.constant 0 : i32
      %dma_wait3A_442 = tpu.memref_slice %arg3[%dma_wait3A_440, %dma_wait3A_441] : memref<100000x768xf32, #tpu.memory_space<hbm>> -> memref<100000x768xf32, #tpu.memory_space<hbm>>
      %dma_wait3A_443 = tpu.memref_slice %arg11[%select_n3A_431] : memref<6x!tpu.dma_semaphore, #tpu.memory_space<semaphore_mem>> -> memref<1x!tpu.dma_semaphore, #tpu.memory_space<semaphore_mem>>
      %dma_wait3A_444 = tpu.memref_squeeze %dma_wait3A_443 : memref<1x!tpu.dma_semaphore, #tpu.memory_space<semaphore_mem>> -> memref<!tpu.dma_semaphore, #tpu.memory_space<semaphore_mem>>
      tpu.wait_indirect_dma semaphore(%dma_wait3A_444 : memref<!tpu.dma_semaphore, #tpu.memory_space<semaphore_mem>>) src(%dma_wait3A_442 : memref<100000x768xf32, #tpu.memory_space<hbm>>) dst(%dma_wait3A_437 : memref<16x768xf32, #tpu.memory_space<vmem>>)
      %lt3A_445 = arith.constant 4 : i32
      %lt3A_446 = arith.cmpi slt, %add3A_375, %lt3A_445 : i32
      %convert_element_type3A_447 = arith.extui %lt3A_446 : i1 to i32
      %cond3A_448 = arith.constant 0 : i32
      %cond3A_449 = arith.cmpi ne, %convert_element_type3A_447, %cond3A_448 : i32
      scf.if %cond3A_449 {
        %mul3A_559 = arith.constant 16 : i32
        %mul3A_560 = arith.muli %add3A_375, %mul3A_559 : i32
        %add3A_561 = arith.addi %mul3A_2, %mul3A_560 : i32
        %mul3A_562 = arith.constant 16 : i32
        %mul3A_563 = arith.muli %add3A_375, %mul3A_562 : i32
        %dma_wait3A_564 = arith.constant 0 : i32
        %dma_wait3A_565 = tpu.memref_slice %arg7[%mul3A_563, %dma_wait3A_564] : memref<64x768xf32, #tpu.memory_space<vmem>> -> memref<16x768xf32, #tpu.memory_space<vmem>>
        %dma_wait3A_566 = arith.constant 0 : i32
        %dma_wait3A_567 = tpu.memref_slice %arg4[%add3A_561, %dma_wait3A_566] : memref<2048x768xf32, #tpu.memory_space<hbm>> -> memref<16x768xf32, #tpu.memory_space<hbm>>
        %dma_wait3A_568 = tpu.memref_slice %arg10[%add3A_375] : memref<4x!tpu.dma_semaphore, #tpu.memory_space<semaphore_mem>> -> memref<1x!tpu.dma_semaphore, #tpu.memory_space<semaphore_mem>>
        %dma_wait3A_569 = tpu.memref_squeeze %dma_wait3A_568 : memref<1x!tpu.dma_semaphore, #tpu.memory_space<semaphore_mem>> -> memref<!tpu.dma_semaphore, #tpu.memory_space<semaphore_mem>>
        %dma_wait3A_570 = arith.constant 0 : i32
        %dma_wait3A_571 = tpu.memref_slice %arg7[%mul3A_563, %dma_wait3A_570] : memref<64x768xf32, #tpu.memory_space<vmem>> -> memref<16x768xf32, #tpu.memory_space<vmem>>
        %dma_wait3A_572 = arith.constant 0 : i32
        %dma_wait3A_573 = tpu.memref_slice %arg4[%add3A_561, %dma_wait3A_572] : memref<2048x768xf32, #tpu.memory_space<hbm>> -> memref<16x768xf32, #tpu.memory_space<hbm>>
        tpu.wait_dma2 semaphore(%dma_wait3A_569 : memref<!tpu.dma_semaphore, #tpu.memory_space<semaphore_mem>>) src(%dma_wait3A_573 : memref<16x768xf32, #tpu.memory_space<hbm>>) dst(%dma_wait3A_571 : memref<16x768xf32, #tpu.memory_space<vmem>>)
      } else {
      }
      %jit3A_450 = arith.constant 6 : i32
      %eq3A_451 = arith.constant 0 : i32
      %eq3A_452 = arith.cmpi eq, %jit3A_450, %eq3A_451 : i32
      %jit3A_453 = arith.constant 1 : i32
      %select_n3A_454 = arith.select %eq3A_452, %jit3A_453, %jit3A_450 : i32
      %rem3A_455 = arith.remsi %add3A_375, %select_n3A_454 : i32
      %ne3A_456 = arith.constant 0 : i32
      %ne3A_457 = arith.cmpi ne, %rem3A_455, %ne3A_456 : i32
      %lt3A_458 = arith.constant 0 : i32
      %lt3A_459 = arith.cmpi slt, %rem3A_455, %lt3A_458 : i32
      %lt3A_460 = arith.constant 0 : i32
      %lt3A_461 = arith.cmpi slt, %select_n3A_454, %lt3A_460 : i32
      %ne3A_462 = arith.xori %lt3A_459, %lt3A_461 : i1
      %and3A_463 = arith.andi %ne3A_462, %ne3A_457 : i1
      %add3A_464 = arith.addi %rem3A_455, %select_n3A_454 : i32
      %select_n3A_465 = arith.select %and3A_463, %add3A_464, %rem3A_455 : i32
      %jit3A_466 = arith.constant 4 : i32
      %eq3A_467 = arith.constant 0 : i32
      %eq3A_468 = arith.cmpi eq, %jit3A_466, %eq3A_467 : i32
      %jit3A_469 = arith.constant 1 : i32
      %select_n3A_470 = arith.select %eq3A_468, %jit3A_469, %jit3A_466 : i32
      %rem3A_471 = arith.remsi %add3A_375, %select_n3A_470 : i32
      %ne3A_472 = arith.constant 0 : i32
      %ne3A_473 = arith.cmpi ne, %rem3A_471, %ne3A_472 : i32
      %lt3A_474 = arith.constant 0 : i32
      %lt3A_475 = arith.cmpi slt, %rem3A_471, %lt3A_474 : i32
      %lt3A_476 = arith.constant 0 : i32
      %lt3A_477 = arith.cmpi slt, %select_n3A_470, %lt3A_476 : i32
      %ne3A_478 = arith.xori %lt3A_475, %lt3A_477 : i1
      %and3A_479 = arith.andi %ne3A_478, %ne3A_473 : i1
      %add3A_480 = arith.addi %rem3A_471, %select_n3A_470 : i32
      %select_n3A_481 = arith.select %and3A_479, %add3A_480, %rem3A_471 : i32
      %parallel_loop3A = arith.constant 0 : i32
      %parallel_loop3A_482 = arith.constant 16 : i32
      %parallel_loop3A_483 = arith.constant 1 : i32
      scf.for %parallel_loop3A_559 = %parallel_loop3A to %parallel_loop3A_482 step %parallel_loop3A_483  : i32 {
        %parallel_loop3A_560 = arith.constant 16 : i32
        %parallel_loop3A_561 = arith.muli %select_n3A_481, %parallel_loop3A_560 : i32
        %parallel_loop3A_562 = arith.addi %parallel_loop3A_561, %parallel_loop3A_559 : i32
        %parallel_loop3A_563 = arith.index_cast %parallel_loop3A_562 : i32 to index
        %parallel_loop3A_564 = arith.constant 0 : index
        %parallel_loop3A_565 = tpu.vector_load %arg7[%parallel_loop3A_563, %parallel_loop3A_564] {strides = array<i32>} : memref<64x768xf32, #tpu.memory_space<vmem>>, vector<1x16xf32>,
        %parallel_loop3A_566 = vector.shape_cast %parallel_loop3A_565 : vector<1x16xf32> to vector<16xf32>
        %parallel_loop3A_567 = arith.constant 16 : i32
        %parallel_loop3A_568 = arith.muli %select_n3A_481, %parallel_loop3A_567 : i32
        %parallel_loop3A_569 = arith.addi %parallel_loop3A_568, %parallel_loop3A_559 : i32
        %parallel_loop3A_570 = arith.index_cast %parallel_loop3A_569 : i32 to index
        %parallel_loop3A_571 = arith.constant 16 : index
        %parallel_loop3A_572 = tpu.vector_load %arg7[%parallel_loop3A_570, %parallel_loop3A_571] {strides = array<i32>} : memref<64x768xf32, #tpu.memory_space<vmem>>, vector<1x16xf32>,
        %parallel_loop3A_573 = vector.shape_cast %parallel_loop3A_572 : vector<1x16xf32> to vector<16xf32>
        %parallel_loop3A_574 = arith.constant 16 : i32
        %parallel_loop3A_575 = arith.muli %select_n3A_481, %parallel_loop3A_574 : i32
        %parallel_loop3A_576 = arith.addi %parallel_loop3A_575, %parallel_loop3A_559 : i32
        %parallel_loop3A_577 = arith.index_cast %parallel_loop3A_576 : i32 to index
        %parallel_loop3A_578 = arith.constant 32 : index
        %parallel_loop3A_579 = tpu.vector_load %arg7[%parallel_loop3A_577, %parallel_loop3A_578] {strides = array<i32>} : memref<64x768xf32, #tpu.memory_space<vmem>>, vector<1x16xf32>,
        %parallel_loop3A_580 = vector.shape_cast %parallel_loop3A_579 : vector<1x16xf32> to vector<16xf32>
        %parallel_loop3A_581 = arith.constant 16 : i32
        %parallel_loop3A_582 = arith.muli %select_n3A_481, %parallel_loop3A_581 : i32
        %parallel_loop3A_583 = arith.addi %parallel_loop3A_582, %parallel_loop3A_559 : i32
        %parallel_loop3A_584 = arith.index_cast %parallel_loop3A_583 : i32 to index
        %parallel_loop3A_585 = arith.constant 48 : index
        %parallel_loop3A_586 = tpu.vector_load %arg7[%parallel_loop3A_584, %parallel_loop3A_585] {strides = array<i32>} : memref<64x768xf32, #tpu.memory_space<vmem>>, vector<1x16xf32>,
        %parallel_loop3A_587 = vector.shape_cast %parallel_loop3A_586 : vector<1x16xf32> to vector<16xf32>
        %parallel_loop3A_588 = arith.constant 16 : i32
        %parallel_loop3A_589 = arith.muli %select_n3A_481, %parallel_loop3A_588 : i32
        %parallel_loop3A_590 = arith.addi %parallel_loop3A_589, %parallel_loop3A_559 : i32
        %parallel_loop3A_591 = arith.index_cast %parallel_loop3A_590 : i32 to index
        %parallel_loop3A_592 = arith.constant 64 : index
        %parallel_loop3A_593 = tpu.vector_load %arg7[%parallel_loop3A_591, %parallel_loop3A_592] {strides = array<i32>} : memref<64x768xf32, #tpu.memory_space<vmem>>, vector<1x16xf32>,
        %parallel_loop3A_594 = vector.shape_cast %parallel_loop3A_593 : vector<1x16xf32> to vector<16xf32>
        %parallel_loop3A_595 = arith.constant 16 : i32
        %parallel_loop3A_596 = arith.muli %select_n3A_481, %parallel_loop3A_595 : i32
        %parallel_loop3A_597 = arith.addi %parallel_loop3A_596, %parallel_loop3A_559 : i32
        %parallel_loop3A_598 = arith.index_cast %parallel_loop3A_597 : i32 to index
        %parallel_loop3A_599 = arith.constant 80 : index
        %parallel_loop3A_600 = tpu.vector_load %arg7[%parallel_loop3A_598, %parallel_loop3A_599] {strides = array<i32>} : memref<64x768xf32, #tpu.memory_space<vmem>>, vector<1x16xf32>,
        %parallel_loop3A_601 = vector.shape_cast %parallel_loop3A_600 : vector<1x16xf32> to vector<16xf32>
        %parallel_loop3A_602 = arith.constant 16 : i32
        %parallel_loop3A_603 = arith.muli %select_n3A_481, %parallel_loop3A_602 : i32
        %parallel_loop3A_604 = arith.addi %parallel_loop3A_603, %parallel_loop3A_559 : i32
        %parallel_loop3A_605 = arith.index_cast %parallel_loop3A_604 : i32 to index
        %parallel_loop3A_606 = arith.constant 96 : index
        %parallel_loop3A_607 = tpu.vector_load %arg7[%parallel_loop3A_605, %parallel_loop3A_606] {strides = array<i32>} : memref<64x768xf32, #tpu.memory_space<vmem>>, vector<1x16xf32>,
        %parallel_loop3A_608 = vector.shape_cast %parallel_loop3A_607 : vector<1x16xf32> to vector<16xf32>
        %parallel_loop3A_609 = arith.constant 16 : i32
        %parallel_loop3A_610 = arith.muli %select_n3A_481, %parallel_loop3A_609 : i32
        %parallel_loop3A_611 = arith.addi %parallel_loop3A_610, %parallel_loop3A_559 : i32
        %parallel_loop3A_612 = arith.index_cast %parallel_loop3A_611 : i32 to index
        %parallel_loop3A_613 = arith.constant 112 : index
        %parallel_loop3A_614 = tpu.vector_load %arg7[%parallel_loop3A_612, %parallel_loop3A_613] {strides = array<i32>} : memref<64x768xf32, #tpu.memory_space<vmem>>, vector<1x16xf32>,
        %parallel_loop3A_615 = vector.shape_cast %parallel_loop3A_614 : vector<1x16xf32> to vector<16xf32>
        %parallel_loop3A_616 = arith.index_cast %select_n3A_465 : i32 to index
        %parallel_loop3A_617 = arith.index_cast %parallel_loop3A_559 : i32 to index
        %parallel_loop3A_618 = arith.constant 0 : index
        %parallel_loop3A_619 = tpu.vector_load %arg8[%parallel_loop3A_616, %parallel_loop3A_617, %parallel_loop3A_618] {strides = array<i32>} : memref<6x16x768xf32, #tpu.memory_space<vmem>>, vector<1x1x16xf32>,
        %parallel_loop3A_620 = vector.shape_cast %parallel_loop3A_619 : vector<1x1x16xf32> to vector<16xf32>
        %parallel_loop3A_621 = vector.shape_cast %parallel_loop3A_566 : vector<16xf32> to vector<1x1x16xf32>
        tpu.vector_store %arg8[%parallel_loop3A_616, %parallel_loop3A_617, %parallel_loop3A_618], %parallel_loop3A_621 {add = true, strides = array<i32>} : memref<6x16x768xf32, #tpu.memory_space<vmem>>, vector<1x1x16xf32>,
        %parallel_loop3A_622 = arith.index_cast %select_n3A_465 : i32 to index
        %parallel_loop3A_623 = arith.index_cast %parallel_loop3A_559 : i32 to index
        %parallel_loop3A_624 = arith.constant 16 : index
        %parallel_loop3A_625 = tpu.vector_load %arg8[%parallel_loop3A_622, %parallel_loop3A_623, %parallel_loop3A_624] {strides = array<i32>} : memref<6x16x768xf32, #tpu.memory_space<vmem>>, vector<1x1x16xf32>,
        %parallel_loop3A_626 = vector.shape_cast %parallel_loop3A_625 : vector<1x1x16xf32> to vector<16xf32>
        %parallel_loop3A_627 = vector.shape_cast %parallel_loop3A_573 : vector<16xf32> to vector<1x1x16xf32>
        tpu.vector_store %arg8[%parallel_loop3A_622, %parallel_loop3A_623, %parallel_loop3A_624], %parallel_loop3A_627 {add = true, strides = array<i32>} : memref<6x16x768xf32, #tpu.memory_space<vmem>>, vector<1x1x16xf32>,
        %parallel_loop3A_628 = arith.index_cast %select_n3A_465 : i32 to index
        %parallel_loop3A_629 = arith.index_cast %parallel_loop3A_559 : i32 to index
        %parallel_loop3A_630 = arith.constant 32 : index
        %parallel_loop3A_631 = tpu.vector_load %arg8[%parallel_loop3A_628, %parallel_loop3A_629, %parallel_loop3A_630] {strides = array<i32>} : memref<6x16x768xf32, #tpu.memory_space<vmem>>, vector<1x1x16xf32>,
        %parallel_loop3A_632 = vector.shape_cast %parallel_loop3A_631 : vector<1x1x16xf32> to vector<16xf32>
        %parallel_loop3A_633 = vector.shape_cast %parallel_loop3A_580 : vector<16xf32> to vector<1x1x16xf32>
        tpu.vector_store %arg8[%parallel_loop3A_628, %parallel_loop3A_629, %parallel_loop3A_630], %parallel_loop3A_633 {add = true, strides = array<i32>} : memref<6x16x768xf32, #tpu.memory_space<vmem>>, vector<1x1x16xf32>,
        %parallel_loop3A_634 = arith.index_cast %select_n3A_465 : i32 to index
        %parallel_loop3A_635 = arith.index_cast %parallel_loop3A_559 : i32 to index
        %parallel_loop3A_636 = arith.constant 48 : index
        %parallel_loop3A_637 = tpu.vector_load %arg8[%parallel_loop3A_634, %parallel_loop3A_635, %parallel_loop3A_636] {strides = array<i32>} : memref<6x16x768xf32, #tpu.memory_space<vmem>>, vector<1x1x16xf32>,
        %parallel_loop3A_638 = vector.shape_cast %parallel_loop3A_637 : vector<1x1x16xf32> to vector<16xf32>
        %parallel_loop3A_639 = vector.shape_cast %parallel_loop3A_587 : vector<16xf32> to vector<1x1x16xf32>
        tpu.vector_store %arg8[%parallel_loop3A_634, %parallel_loop3A_635, %parallel_loop3A_636], %parallel_loop3A_639 {add = true, strides = array<i32>} : memref<6x16x768xf32, #tpu.memory_space<vmem>>, vector<1x1x16xf32>,
        %parallel_loop3A_640 = arith.index_cast %select_n3A_465 : i32 to index
        %parallel_loop3A_641 = arith.index_cast %parallel_loop3A_559 : i32 to index
        %parallel_loop3A_642 = arith.constant 64 : index
        %parallel_loop3A_643 = tpu.vector_load %arg8[%parallel_loop3A_640, %parallel_loop3A_641, %parallel_loop3A_642] {strides = array<i32>} : memref<6x16x768xf32, #tpu.memory_space<vmem>>, vector<1x1x16xf32>,
        %parallel_loop3A_644 = vector.shape_cast %parallel_loop3A_643 : vector<1x1x16xf32> to vector<16xf32>
        %parallel_loop3A_645 = vector.shape_cast %parallel_loop3A_594 : vector<16xf32> to vector<1x1x16xf32>
        tpu.vector_store %arg8[%parallel_loop3A_640, %parallel_loop3A_641, %parallel_loop3A_642], %parallel_loop3A_645 {add = true, strides = array<i32>} : memref<6x16x768xf32, #tpu.memory_space<vmem>>, vector<1x1x16xf32>,
        %parallel_loop3A_646 = arith.index_cast %select_n3A_465 : i32 to index
        %parallel_loop3A_647 = arith.index_cast %parallel_loop3A_559 : i32 to index
        %parallel_loop3A_648 = arith.constant 80 : index
        %parallel_loop3A_649 = tpu.vector_load %arg8[%parallel_loop3A_646, %parallel_loop3A_647, %parallel_loop3A_648] {strides = array<i32>} : memref<6x16x768xf32, #tpu.memory_space<vmem>>, vector<1x1x16xf32>,
        %parallel_loop3A_650 = vector.shape_cast %parallel_loop3A_649 : vector<1x1x16xf32> to vector<16xf32>
        %parallel_loop3A_651 = vector.shape_cast %parallel_loop3A_601 : vector<16xf32> to vector<1x1x16xf32>
        tpu.vector_store %arg8[%parallel_loop3A_646, %parallel_loop3A_647, %parallel_loop3A_648], %parallel_loop3A_651 {add = true, strides = array<i32>} : memref<6x16x768xf32, #tpu.memory_space<vmem>>, vector<1x1x16xf32>,
        %parallel_loop3A_652 = arith.index_cast %select_n3A_465 : i32 to index
        %parallel_loop3A_653 = arith.index_cast %parallel_loop3A_559 : i32 to index
        %parallel_loop3A_654 = arith.constant 96 : index
        %parallel_loop3A_655 = tpu.vector_load %arg8[%parallel_loop3A_652, %parallel_loop3A_653, %parallel_loop3A_654] {strides = array<i32>} : memref<6x16x768xf32, #tpu.memory_space<vmem>>, vector<1x1x16xf32>,
        %parallel_loop3A_656 = vector.shape_cast %parallel_loop3A_655 : vector<1x1x16xf32> to vector<16xf32>
        %parallel_loop3A_657 = vector.shape_cast %parallel_loop3A_608 : vector<16xf32> to vector<1x1x16xf32>
        tpu.vector_store %arg8[%parallel_loop3A_652, %parallel_loop3A_653, %parallel_loop3A_654], %parallel_loop3A_657 {add = true, strides = array<i32>} : memref<6x16x768xf32, #tpu.memory_space<vmem>>, vector<1x1x16xf32>,
        %parallel_loop3A_658 = arith.index_cast %select_n3A_465 : i32 to index
        %parallel_loop3A_659 = arith.index_cast %parallel_loop3A_559 : i32 to index
        %parallel_loop3A_660 = arith.constant 112 : index
        %parallel_loop3A_661 = tpu.vector_load %arg8[%parallel_loop3A_658, %parallel_loop3A_659, %parallel_loop3A_660] {strides = array<i32>} : memref<6x16x768xf32, #tpu.memory_space<vmem>>, vector<1x1x16xf32>,
        %parallel_loop3A_662 = vector.shape_cast %parallel_loop3A_661 : vector<1x1x16xf32> to vector<16xf32>
        %parallel_loop3A_663 = vector.shape_cast %parallel_loop3A_615 : vector<16xf32> to vector<1x1x16xf32>
        tpu.vector_store %arg8[%parallel_loop3A_658, %parallel_loop3A_659, %parallel_loop3A_660], %parallel_loop3A_663 {add = true, strides = array<i32>} : memref<6x16x768xf32, #tpu.memory_space<vmem>>, vector<1x1x16xf32>,
        %parallel_loop3A_664 = arith.constant 16 : i32
        %parallel_loop3A_665 = arith.muli %select_n3A_481, %parallel_loop3A_664 : i32
        %parallel_loop3A_666 = arith.addi %parallel_loop3A_665, %parallel_loop3A_559 : i32
        %parallel_loop3A_667 = arith.index_cast %parallel_loop3A_666 : i32 to index
        %parallel_loop3A_668 = arith.constant 128 : index
        %parallel_loop3A_669 = tpu.vector_load %arg7[%parallel_loop3A_667, %parallel_loop3A_668] {strides = array<i32>} : memref<64x768xf32, #tpu.memory_space<vmem>>, vector<1x16xf32>,
        %parallel_loop3A_670 = vector.shape_cast %parallel_loop3A_669 : vector<1x16xf32> to vector<16xf32>
        %parallel_loop3A_671 = arith.constant 16 : i32
        %parallel_loop3A_672 = arith.muli %select_n3A_481, %parallel_loop3A_671 : i32
        %parallel_loop3A_673 = arith.addi %parallel_loop3A_672, %parallel_loop3A_559 : i32
        %parallel_loop3A_674 = arith.index_cast %parallel_loop3A_673 : i32 to index
        %parallel_loop3A_675 = arith.constant 144 : index
        %parallel_loop3A_676 = tpu.vector_load %arg7[%parallel_loop3A_674, %parallel_loop3A_675] {strides = array<i32>} : memref<64x768xf32, #tpu.memory_space<vmem>>, vector<1x16xf32>,
        %parallel_loop3A_677 = vector.shape_cast %parallel_loop3A_676 : vector<1x16xf32> to vector<16xf32>
        %parallel_loop3A_678 = arith.constant 16 : i32
        %parallel_loop3A_679 = arith.muli %select_n3A_481, %parallel_loop3A_678 : i32
        %parallel_loop3A_680 = arith.addi %parallel_loop3A_679, %parallel_loop3A_559 : i32
        %parallel_loop3A_681 = arith.index_cast %parallel_loop3A_680 : i32 to index
        %parallel_loop3A_682 = arith.constant 160 : index
        %parallel_loop3A_683 = tpu.vector_load %arg7[%parallel_loop3A_681, %parallel_loop3A_682] {strides = array<i32>} : memref<64x768xf32, #tpu.memory_space<vmem>>, vector<1x16xf32>,
        %parallel_loop3A_684 = vector.shape_cast %parallel_loop3A_683 : vector<1x16xf32> to vector<16xf32>
        %parallel_loop3A_685 = arith.constant 16 : i32
        %parallel_loop3A_686 = arith.muli %select_n3A_481, %parallel_loop3A_685 : i32
        %parallel_loop3A_687 = arith.addi %parallel_loop3A_686, %parallel_loop3A_559 : i32
        %parallel_loop3A_688 = arith.index_cast %parallel_loop3A_687 : i32 to index
        %parallel_loop3A_689 = arith.constant 176 : index
        %parallel_loop3A_690 = tpu.vector_load %arg7[%parallel_loop3A_688, %parallel_loop3A_689] {strides = array<i32>} : memref<64x768xf32, #tpu.memory_space<vmem>>, vector<1x16xf32>,
        %parallel_loop3A_691 = vector.shape_cast %parallel_loop3A_690 : vector<1x16xf32> to vector<16xf32>
        %parallel_loop3A_692 = arith.constant 16 : i32
        %parallel_loop3A_693 = arith.muli %select_n3A_481, %parallel_loop3A_692 : i32
        %parallel_loop3A_694 = arith.addi %parallel_loop3A_693, %parallel_loop3A_559 : i32
        %parallel_loop3A_695 = arith.index_cast %parallel_loop3A_694 : i32 to index
        %parallel_loop3A_696 = arith.constant 192 : index
        %parallel_loop3A_697 = tpu.vector_load %arg7[%parallel_loop3A_695, %parallel_loop3A_696] {strides = array<i32>} : memref<64x768xf32, #tpu.memory_space<vmem>>, vector<1x16xf32>,
        %parallel_loop3A_698 = vector.shape_cast %parallel_loop3A_697 : vector<1x16xf32> to vector<16xf32>
        %parallel_loop3A_699 = arith.constant 16 : i32
        %parallel_loop3A_700 = arith.muli %select_n3A_481, %parallel_loop3A_699 : i32
        %parallel_loop3A_701 = arith.addi %parallel_loop3A_700, %parallel_loop3A_559 : i32
        %parallel_loop3A_702 = arith.index_cast %parallel_loop3A_701 : i32 to index
        %parallel_loop3A_703 = arith.constant 208 : index
        %parallel_loop3A_704 = tpu.vector_load %arg7[%parallel_loop3A_702, %parallel_loop3A_703] {strides = array<i32>} : memref<64x768xf32, #tpu.memory_space<vmem>>, vector<1x16xf32>,
        %parallel_loop3A_705 = vector.shape_cast %parallel_loop3A_704 : vector<1x16xf32> to vector<16xf32>
        %parallel_loop3A_706 = arith.constant 16 : i32
        %parallel_loop3A_707 = arith.muli %select_n3A_481, %parallel_loop3A_706 : i32
        %parallel_loop3A_708 = arith.addi %parallel_loop3A_707, %parallel_loop3A_559 : i32
        %parallel_loop3A_709 = arith.index_cast %parallel_loop3A_708 : i32 to index
        %parallel_loop3A_710 = arith.constant 224 : index
        %parallel_loop3A_711 = tpu.vector_load %arg7[%parallel_loop3A_709, %parallel_loop3A_710] {strides = array<i32>} : memref<64x768xf32, #tpu.memory_space<vmem>>, vector<1x16xf32>,
        %parallel_loop3A_712 = vector.shape_cast %parallel_loop3A_711 : vector<1x16xf32> to vector<16xf32>
        %parallel_loop3A_713 = arith.constant 16 : i32
        %parallel_loop3A_714 = arith.muli %select_n3A_481, %parallel_loop3A_713 : i32
        %parallel_loop3A_715 = arith.addi %parallel_loop3A_714, %parallel_loop3A_559 : i32
        %parallel_loop3A_716 = arith.index_cast %parallel_loop3A_715 : i32 to index
        %parallel_loop3A_717 = arith.constant 240 : index
        %parallel_loop3A_718 = tpu.vector_load %arg7[%parallel_loop3A_716, %parallel_loop3A_717] {strides = array<i32>} : memref<64x768xf32, #tpu.memory_space<vmem>>, vector<1x16xf32>,
        %parallel_loop3A_719 = vector.shape_cast %parallel_loop3A_718 : vector<1x16xf32> to vector<16xf32>
        %parallel_loop3A_720 = arith.index_cast %select_n3A_465 : i32 to index
        %parallel_loop3A_721 = arith.index_cast %parallel_loop3A_559 : i32 to index
        %parallel_loop3A_722 = arith.constant 128 : index
        %parallel_loop3A_723 = tpu.vector_load %arg8[%parallel_loop3A_720, %parallel_loop3A_721, %parallel_loop3A_722] {strides = array<i32>} : memref<6x16x768xf32, #tpu.memory_space<vmem>>, vector<1x1x16xf32>,
        %parallel_loop3A_724 = vector.shape_cast %parallel_loop3A_723 : vector<1x1x16xf32> to vector<16xf32>
        %parallel_loop3A_725 = vector.shape_cast %parallel_loop3A_670 : vector<16xf32> to vector<1x1x16xf32>
        tpu.vector_store %arg8[%parallel_loop3A_720, %parallel_loop3A_721, %parallel_loop3A_722], %parallel_loop3A_725 {add = true, strides = array<i32>} : memref<6x16x768xf32, #tpu.memory_space<vmem>>, vector<1x1x16xf32>,
        %parallel_loop3A_726 = arith.index_cast %select_n3A_465 : i32 to index
        %parallel_loop3A_727 = arith.index_cast %parallel_loop3A_559 : i32 to index
        %parallel_loop3A_728 = arith.constant 144 : index
        %parallel_loop3A_729 = tpu.vector_load %arg8[%parallel_loop3A_726, %parallel_loop3A_727, %parallel_loop3A_728] {strides = array<i32>} : memref<6x16x768xf32, #tpu.memory_space<vmem>>, vector<1x1x16xf32>,
        %parallel_loop3A_730 = vector.shape_cast %parallel_loop3A_729 : vector<1x1x16xf32> to vector<16xf32>
        %parallel_loop3A_731 = vector.shape_cast %parallel_loop3A_677 : vector<16xf32> to vector<1x1x16xf32>
        tpu.vector_store %arg8[%parallel_loop3A_726, %parallel_loop3A_727, %parallel_loop3A_728], %parallel_loop3A_731 {add = true, strides = array<i32>} : memref<6x16x768xf32, #tpu.memory_space<vmem>>, vector<1x1x16xf32>,
        %parallel_loop3A_732 = arith.index_cast %select_n3A_465 : i32 to index
        %parallel_loop3A_733 = arith.index_cast %parallel_loop3A_559 : i32 to index
        %parallel_loop3A_734 = arith.constant 160 : index
        %parallel_loop3A_735 = tpu.vector_load %arg8[%parallel_loop3A_732, %parallel_loop3A_733, %parallel_loop3A_734] {strides = array<i32>} : memref<6x16x768xf32, #tpu.memory_space<vmem>>, vector<1x1x16xf32>,
        %parallel_loop3A_736 = vector.shape_cast %parallel_loop3A_735 : vector<1x1x16xf32> to vector<16xf32>
        %parallel_loop3A_737 = vector.shape_cast %parallel_loop3A_684 : vector<16xf32> to vector<1x1x16xf32>
        tpu.vector_store %arg8[%parallel_loop3A_732, %parallel_loop3A_733, %parallel_loop3A_734], %parallel_loop3A_737 {add = true, strides = array<i32>} : memref<6x16x768xf32, #tpu.memory_space<vmem>>, vector<1x1x16xf32>,
        %parallel_loop3A_738 = arith.index_cast %select_n3A_465 : i32 to index
        %parallel_loop3A_739 = arith.index_cast %parallel_loop3A_559 : i32 to index
        %parallel_loop3A_740 = arith.constant 176 : index
        %parallel_loop3A_741 = tpu.vector_load %arg8[%parallel_loop3A_738, %parallel_loop3A_739, %parallel_loop3A_740] {strides = array<i32>} : memref<6x16x768xf32, #tpu.memory_space<vmem>>, vector<1x1x16xf32>,
        %parallel_loop3A_742 = vector.shape_cast %parallel_loop3A_741 : vector<1x1x16xf32> to vector<16xf32>
        %parallel_loop3A_743 = vector.shape_cast %parallel_loop3A_691 : vector<16xf32> to vector<1x1x16xf32>
        tpu.vector_store %arg8[%parallel_loop3A_738, %parallel_loop3A_739, %parallel_loop3A_740], %parallel_loop3A_743 {add = true, strides = array<i32>} : memref<6x16x768xf32, #tpu.memory_space<vmem>>, vector<1x1x16xf32>,
        %parallel_loop3A_744 = arith.index_cast %select_n3A_465 : i32 to index
        %parallel_loop3A_745 = arith.index_cast %parallel_loop3A_559 : i32 to index
        %parallel_loop3A_746 = arith.constant 192 : index
        %parallel_loop3A_747 = tpu.vector_load %arg8[%parallel_loop3A_744, %parallel_loop3A_745, %parallel_loop3A_746] {strides = array<i32>} : memref<6x16x768xf32, #tpu.memory_space<vmem>>, vector<1x1x16xf32>,
        %parallel_loop3A_748 = vector.shape_cast %parallel_loop3A_747 : vector<1x1x16xf32> to vector<16xf32>
        %parallel_loop3A_749 = vector.shape_cast %parallel_loop3A_698 : vector<16xf32> to vector<1x1x16xf32>
        tpu.vector_store %arg8[%parallel_loop3A_744, %parallel_loop3A_745, %parallel_loop3A_746], %parallel_loop3A_749 {add = true, strides = array<i32>} : memref<6x16x768xf32, #tpu.memory_space<vmem>>, vector<1x1x16xf32>,
        %parallel_loop3A_750 = arith.index_cast %select_n3A_465 : i32 to index
        %parallel_loop3A_751 = arith.index_cast %parallel_loop3A_559 : i32 to index
        %parallel_loop3A_752 = arith.constant 208 : index
        %parallel_loop3A_753 = tpu.vector_load %arg8[%parallel_loop3A_750, %parallel_loop3A_751, %parallel_loop3A_752] {strides = array<i32>} : memref<6x16x768xf32, #tpu.memory_space<vmem>>, vector<1x1x16xf32>,
        %parallel_loop3A_754 = vector.shape_cast %parallel_loop3A_753 : vector<1x1x16xf32> to vector<16xf32>
        %parallel_loop3A_755 = vector.shape_cast %parallel_loop3A_705 : vector<16xf32> to vector<1x1x16xf32>
        tpu.vector_store %arg8[%parallel_loop3A_750, %parallel_loop3A_751, %parallel_loop3A_752], %parallel_loop3A_755 {add = true, strides = array<i32>} : memref<6x16x768xf32, #tpu.memory_space<vmem>>, vector<1x1x16xf32>,
        %parallel_loop3A_756 = arith.index_cast %select_n3A_465 : i32 to index
        %parallel_loop3A_757 = arith.index_cast %parallel_loop3A_559 : i32 to index
        %parallel_loop3A_758 = arith.constant 224 : index
        %parallel_loop3A_759 = tpu.vector_load %arg8[%parallel_loop3A_756, %parallel_loop3A_757, %parallel_loop3A_758] {strides = array<i32>} : memref<6x16x768xf32, #tpu.memory_space<vmem>>, vector<1x1x16xf32>,
        %parallel_loop3A_760 = vector.shape_cast %parallel_loop3A_759 : vector<1x1x16xf32> to vector<16xf32>
        %parallel_loop3A_761 = vector.shape_cast %parallel_loop3A_712 : vector<16xf32> to vector<1x1x16xf32>
        tpu.vector_store %arg8[%parallel_loop3A_756, %parallel_loop3A_757, %parallel_loop3A_758], %parallel_loop3A_761 {add = true, strides = array<i32>} : memref<6x16x768xf32, #tpu.memory_space<vmem>>, vector<1x1x16xf32>,
        %parallel_loop3A_762 = arith.index_cast %select_n3A_465 : i32 to index
        %parallel_loop3A_763 = arith.index_cast %parallel_loop3A_559 : i32 to index
        %parallel_loop3A_764 = arith.constant 240 : index
        %parallel_loop3A_765 = tpu.vector_load %arg8[%parallel_loop3A_762, %parallel_loop3A_763, %parallel_loop3A_764] {strides = array<i32>} : memref<6x16x768xf32, #tpu.memory_space<vmem>>, vector<1x1x16xf32>,
        %parallel_loop3A_766 = vector.shape_cast %parallel_loop3A_765 : vector<1x1x16xf32> to vector<16xf32>
        %parallel_loop3A_767 = vector.shape_cast %parallel_loop3A_719 : vector<16xf32> to vector<1x1x16xf32>
        tpu.vector_store %arg8[%parallel_loop3A_762, %parallel_loop3A_763, %parallel_loop3A_764], %parallel_loop3A_767 {add = true, strides = array<i32>} : memref<6x16x768xf32, #tpu.memory_space<vmem>>, vector<1x1x16xf32>,
        %parallel_loop3A_768 = arith.constant 16 : i32
        %parallel_loop3A_769 = arith.muli %select_n3A_481, %parallel_loop3A_768 : i32
        %parallel_loop3A_770 = arith.addi %parallel_loop3A_769, %parallel_loop3A_559 : i32
        %parallel_loop3A_771 = arith.index_cast %parallel_loop3A_770 : i32 to index
        %parallel_loop3A_772 = arith.constant 256 : index
        %parallel_loop3A_773 = tpu.vector_load %arg7[%parallel_loop3A_771, %parallel_loop3A_772] {strides = array<i32>} : memref<64x768xf32, #tpu.memory_space<vmem>>, vector<1x16xf32>,
        %parallel_loop3A_774 = vector.shape_cast %parallel_loop3A_773 : vector<1x16xf32> to vector<16xf32>
        %parallel_loop3A_775 = arith.constant 16 : i32
        %parallel_loop3A_776 = arith.muli %select_n3A_481, %parallel_loop3A_775 : i32
        %parallel_loop3A_777 = arith.addi %parallel_loop3A_776, %parallel_loop3A_559 : i32
        %parallel_loop3A_778 = arith.index_cast %parallel_loop3A_777 : i32 to index
        %parallel_loop3A_779 = arith.constant 272 : index
        %parallel_loop3A_780 = tpu.vector_load %arg7[%parallel_loop3A_778, %parallel_loop3A_779] {strides = array<i32>} : memref<64x768xf32, #tpu.memory_space<vmem>>, vector<1x16xf32>,
        %parallel_loop3A_781 = vector.shape_cast %parallel_loop3A_780 : vector<1x16xf32> to vector<16xf32>
        %parallel_loop3A_782 = arith.constant 16 : i32
        %parallel_loop3A_783 = arith.muli %select_n3A_481, %parallel_loop3A_782 : i32
        %parallel_loop3A_784 = arith.addi %parallel_loop3A_783, %parallel_loop3A_559 : i32
        %parallel_loop3A_785 = arith.index_cast %parallel_loop3A_784 : i32 to index
        %parallel_loop3A_786 = arith.constant 288 : index
        %parallel_loop3A_787 = tpu.vector_load %arg7[%parallel_loop3A_785, %parallel_loop3A_786] {strides = array<i32>} : memref<64x768xf32, #tpu.memory_space<vmem>>, vector<1x16xf32>,
        %parallel_loop3A_788 = vector.shape_cast %parallel_loop3A_787 : vector<1x16xf32> to vector<16xf32>
        %parallel_loop3A_789 = arith.constant 16 : i32
        %parallel_loop3A_790 = arith.muli %select_n3A_481, %parallel_loop3A_789 : i32
        %parallel_loop3A_791 = arith.addi %parallel_loop3A_790, %parallel_loop3A_559 : i32
        %parallel_loop3A_792 = arith.index_cast %parallel_loop3A_791 : i32 to index
        %parallel_loop3A_793 = arith.constant 304 : index
        %parallel_loop3A_794 = tpu.vector_load %arg7[%parallel_loop3A_792, %parallel_loop3A_793] {strides = array<i32>} : memref<64x768xf32, #tpu.memory_space<vmem>>, vector<1x16xf32>,
        %parallel_loop3A_795 = vector.shape_cast %parallel_loop3A_794 : vector<1x16xf32> to vector<16xf32>
        %parallel_loop3A_796 = arith.constant 16 : i32
        %parallel_loop3A_797 = arith.muli %select_n3A_481, %parallel_loop3A_796 : i32
        %parallel_loop3A_798 = arith.addi %parallel_loop3A_797, %parallel_loop3A_559 : i32
        %parallel_loop3A_799 = arith.index_cast %parallel_loop3A_798 : i32 to index
        %parallel_loop3A_800 = arith.constant 320 : index
        %parallel_loop3A_801 = tpu.vector_load %arg7[%parallel_loop3A_799, %parallel_loop3A_800] {strides = array<i32>} : memref<64x768xf32, #tpu.memory_space<vmem>>, vector<1x16xf32>,
        %parallel_loop3A_802 = vector.shape_cast %parallel_loop3A_801 : vector<1x16xf32> to vector<16xf32>
        %parallel_loop3A_803 = arith.constant 16 : i32
        %parallel_loop3A_804 = arith.muli %select_n3A_481, %parallel_loop3A_803 : i32
        %parallel_loop3A_805 = arith.addi %parallel_loop3A_804, %parallel_loop3A_559 : i32
        %parallel_loop3A_806 = arith.index_cast %parallel_loop3A_805 : i32 to index
        %parallel_loop3A_807 = arith.constant 336 : index
        %parallel_loop3A_808 = tpu.vector_load %arg7[%parallel_loop3A_806, %parallel_loop3A_807] {strides = array<i32>} : memref<64x768xf32, #tpu.memory_space<vmem>>, vector<1x16xf32>,
        %parallel_loop3A_809 = vector.shape_cast %parallel_loop3A_808 : vector<1x16xf32> to vector<16xf32>
        %parallel_loop3A_810 = arith.constant 16 : i32
        %parallel_loop3A_811 = arith.muli %select_n3A_481, %parallel_loop3A_810 : i32
        %parallel_loop3A_812 = arith.addi %parallel_loop3A_811, %parallel_loop3A_559 : i32
        %parallel_loop3A_813 = arith.index_cast %parallel_loop3A_812 : i32 to index
        %parallel_loop3A_814 = arith.constant 352 : index
        %parallel_loop3A_815 = tpu.vector_load %arg7[%parallel_loop3A_813, %parallel_loop3A_814] {strides = array<i32>} : memref<64x768xf32, #tpu.memory_space<vmem>>, vector<1x16xf32>,
        %parallel_loop3A_816 = vector.shape_cast %parallel_loop3A_815 : vector<1x16xf32> to vector<16xf32>
        %parallel_loop3A_817 = arith.constant 16 : i32
        %parallel_loop3A_818 = arith.muli %select_n3A_481, %parallel_loop3A_817 : i32
        %parallel_loop3A_819 = arith.addi %parallel_loop3A_818, %parallel_loop3A_559 : i32
        %parallel_loop3A_820 = arith.index_cast %parallel_loop3A_819 : i32 to index
        %parallel_loop3A_821 = arith.constant 368 : index
        %parallel_loop3A_822 = tpu.vector_load %arg7[%parallel_loop3A_820, %parallel_loop3A_821] {strides = array<i32>} : memref<64x768xf32, #tpu.memory_space<vmem>>, vector<1x16xf32>,
        %parallel_loop3A_823 = vector.shape_cast %parallel_loop3A_822 : vector<1x16xf32> to vector<16xf32>
        %parallel_loop3A_824 = arith.index_cast %select_n3A_465 : i32 to index
        %parallel_loop3A_825 = arith.index_cast %parallel_loop3A_559 : i32 to index
        %parallel_loop3A_826 = arith.constant 256 : index
        %parallel_loop3A_827 = tpu.vector_load %arg8[%parallel_loop3A_824, %parallel_loop3A_825, %parallel_loop3A_826] {strides = array<i32>} : memref<6x16x768xf32, #tpu.memory_space<vmem>>, vector<1x1x16xf32>,
        %parallel_loop3A_828 = vector.shape_cast %parallel_loop3A_827 : vector<1x1x16xf32> to vector<16xf32>
        %parallel_loop3A_829 = vector.shape_cast %parallel_loop3A_774 : vector<16xf32> to vector<1x1x16xf32>
        tpu.vector_store %arg8[%parallel_loop3A_824, %parallel_loop3A_825, %parallel_loop3A_826], %parallel_loop3A_829 {add = true, strides = array<i32>} : memref<6x16x768xf32, #tpu.memory_space<vmem>>, vector<1x1x16xf32>,
        %parallel_loop3A_830 = arith.index_cast %select_n3A_465 : i32 to index
        %parallel_loop3A_831 = arith.index_cast %parallel_loop3A_559 : i32 to index
        %parallel_loop3A_832 = arith.constant 272 : index
        %parallel_loop3A_833 = tpu.vector_load %arg8[%parallel_loop3A_830, %parallel_loop3A_831, %parallel_loop3A_832] {strides = array<i32>} : memref<6x16x768xf32, #tpu.memory_space<vmem>>, vector<1x1x16xf32>,
        %parallel_loop3A_834 = vector.shape_cast %parallel_loop3A_833 : vector<1x1x16xf32> to vector<16xf32>
        %parallel_loop3A_835 = vector.shape_cast %parallel_loop3A_781 : vector<16xf32> to vector<1x1x16xf32>
        tpu.vector_store %arg8[%parallel_loop3A_830, %parallel_loop3A_831, %parallel_loop3A_832], %parallel_loop3A_835 {add = true, strides = array<i32>} : memref<6x16x768xf32, #tpu.memory_space<vmem>>, vector<1x1x16xf32>,
        %parallel_loop3A_836 = arith.index_cast %select_n3A_465 : i32 to index
        %parallel_loop3A_837 = arith.index_cast %parallel_loop3A_559 : i32 to index
        %parallel_loop3A_838 = arith.constant 288 : index
        %parallel_loop3A_839 = tpu.vector_load %arg8[%parallel_loop3A_836, %parallel_loop3A_837, %parallel_loop3A_838] {strides = array<i32>} : memref<6x16x768xf32, #tpu.memory_space<vmem>>, vector<1x1x16xf32>,
        %parallel_loop3A_840 = vector.shape_cast %parallel_loop3A_839 : vector<1x1x16xf32> to vector<16xf32>
        %parallel_loop3A_841 = vector.shape_cast %parallel_loop3A_788 : vector<16xf32> to vector<1x1x16xf32>
        tpu.vector_store %arg8[%parallel_loop3A_836, %parallel_loop3A_837, %parallel_loop3A_838], %parallel_loop3A_841 {add = true, strides = array<i32>} : memref<6x16x768xf32, #tpu.memory_space<vmem>>, vector<1x1x16xf32>,
        %parallel_loop3A_842 = arith.index_cast %select_n3A_465 : i32 to index
        %parallel_loop3A_843 = arith.index_cast %parallel_loop3A_559 : i32 to index
        %parallel_loop3A_844 = arith.constant 304 : index
        %parallel_loop3A_845 = tpu.vector_load %arg8[%parallel_loop3A_842, %parallel_loop3A_843, %parallel_loop3A_844] {strides = array<i32>} : memref<6x16x768xf32, #tpu.memory_space<vmem>>, vector<1x1x16xf32>,
        %parallel_loop3A_846 = vector.shape_cast %parallel_loop3A_845 : vector<1x1x16xf32> to vector<16xf32>
        %parallel_loop3A_847 = vector.shape_cast %parallel_loop3A_795 : vector<16xf32> to vector<1x1x16xf32>
        tpu.vector_store %arg8[%parallel_loop3A_842, %parallel_loop3A_843, %parallel_loop3A_844], %parallel_loop3A_847 {add = true, strides = array<i32>} : memref<6x16x768xf32, #tpu.memory_space<vmem>>, vector<1x1x16xf32>,
        %parallel_loop3A_848 = arith.index_cast %select_n3A_465 : i32 to index
        %parallel_loop3A_849 = arith.index_cast %parallel_loop3A_559 : i32 to index
        %parallel_loop3A_850 = arith.constant 320 : index
        %parallel_loop3A_851 = tpu.vector_load %arg8[%parallel_loop3A_848, %parallel_loop3A_849, %parallel_loop3A_850] {strides = array<i32>} : memref<6x16x768xf32, #tpu.memory_space<vmem>>, vector<1x1x16xf32>,
        %parallel_loop3A_852 = vector.shape_cast %parallel_loop3A_851 : vector<1x1x16xf32> to vector<16xf32>
        %parallel_loop3A_853 = vector.shape_cast %parallel_loop3A_802 : vector<16xf32> to vector<1x1x16xf32>
        tpu.vector_store %arg8[%parallel_loop3A_848, %parallel_loop3A_849, %parallel_loop3A_850], %parallel_loop3A_853 {add = true, strides = array<i32>} : memref<6x16x768xf32, #tpu.memory_space<vmem>>, vector<1x1x16xf32>,
        %parallel_loop3A_854 = arith.index_cast %select_n3A_465 : i32 to index
        %parallel_loop3A_855 = arith.index_cast %parallel_loop3A_559 : i32 to index
        %parallel_loop3A_856 = arith.constant 336 : index
        %parallel_loop3A_857 = tpu.vector_load %arg8[%parallel_loop3A_854, %parallel_loop3A_855, %parallel_loop3A_856] {strides = array<i32>} : memref<6x16x768xf32, #tpu.memory_space<vmem>>, vector<1x1x16xf32>,
        %parallel_loop3A_858 = vector.shape_cast %parallel_loop3A_857 : vector<1x1x16xf32> to vector<16xf32>
        %parallel_loop3A_859 = vector.shape_cast %parallel_loop3A_809 : vector<16xf32> to vector<1x1x16xf32>
        tpu.vector_store %arg8[%parallel_loop3A_854, %parallel_loop3A_855, %parallel_loop3A_856], %parallel_loop3A_859 {add = true, strides = array<i32>} : memref<6x16x768xf32, #tpu.memory_space<vmem>>, vector<1x1x16xf32>,
        %parallel_loop3A_860 = arith.index_cast %select_n3A_465 : i32 to index
        %parallel_loop3A_861 = arith.index_cast %parallel_loop3A_559 : i32 to index
        %parallel_loop3A_862 = arith.constant 352 : index
        %parallel_loop3A_863 = tpu.vector_load %arg8[%parallel_loop3A_860, %parallel_loop3A_861, %parallel_loop3A_862] {strides = array<i32>} : memref<6x16x768xf32, #tpu.memory_space<vmem>>, vector<1x1x16xf32>,
        %parallel_loop3A_864 = vector.shape_cast %parallel_loop3A_863 : vector<1x1x16xf32> to vector<16xf32>
        %parallel_loop3A_865 = vector.shape_cast %parallel_loop3A_816 : vector<16xf32> to vector<1x1x16xf32>
        tpu.vector_store %arg8[%parallel_loop3A_860, %parallel_loop3A_861, %parallel_loop3A_862], %parallel_loop3A_865 {add = true, strides = array<i32>} : memref<6x16x768xf32, #tpu.memory_space<vmem>>, vector<1x1x16xf32>,
        %parallel_loop3A_866 = arith.index_cast %select_n3A_465 : i32 to index
        %parallel_loop3A_867 = arith.index_cast %parallel_loop3A_559 : i32 to index
        %parallel_loop3A_868 = arith.constant 368 : index
        %parallel_loop3A_869 = tpu.vector_load %arg8[%parallel_loop3A_866, %parallel_loop3A_867, %parallel_loop3A_868] {strides = array<i32>} : memref<6x16x768xf32, #tpu.memory_space<vmem>>, vector<1x1x16xf32>,
        %parallel_loop3A_870 = vector.shape_cast %parallel_loop3A_869 : vector<1x1x16xf32> to vector<16xf32>
        %parallel_loop3A_871 = vector.shape_cast %parallel_loop3A_823 : vector<16xf32> to vector<1x1x16xf32>
        tpu.vector_store %arg8[%parallel_loop3A_866, %parallel_loop3A_867, %parallel_loop3A_868], %parallel_loop3A_871 {add = true, strides = array<i32>} : memref<6x16x768xf32, #tpu.memory_space<vmem>>, vector<1x1x16xf32>,
        %parallel_loop3A_872 = arith.constant 16 : i32
        %parallel_loop3A_873 = arith.muli %select_n3A_481, %parallel_loop3A_872 : i32
        %parallel_loop3A_874 = arith.addi %parallel_loop3A_873, %parallel_loop3A_559 : i32
        %parallel_loop3A_875 = arith.index_cast %parallel_loop3A_874 : i32 to index
        %parallel_loop3A_876 = arith.constant 384 : index
        %parallel_loop3A_877 = tpu.vector_load %arg7[%parallel_loop3A_875, %parallel_loop3A_876] {strides = array<i32>} : memref<64x768xf32, #tpu.memory_space<vmem>>, vector<1x16xf32>,
        %parallel_loop3A_878 = vector.shape_cast %parallel_loop3A_877 : vector<1x16xf32> to vector<16xf32>
        %parallel_loop3A_879 = arith.constant 16 : i32
        %parallel_loop3A_880 = arith.muli %select_n3A_481, %parallel_loop3A_879 : i32
        %parallel_loop3A_881 = arith.addi %parallel_loop3A_880, %parallel_loop3A_559 : i32
        %parallel_loop3A_882 = arith.index_cast %parallel_loop3A_881 : i32 to index
        %parallel_loop3A_883 = arith.constant 400 : index
        %parallel_loop3A_884 = tpu.vector_load %arg7[%parallel_loop3A_882, %parallel_loop3A_883] {strides = array<i32>} : memref<64x768xf32, #tpu.memory_space<vmem>>, vector<1x16xf32>,
        %parallel_loop3A_885 = vector.shape_cast %parallel_loop3A_884 : vector<1x16xf32> to vector<16xf32>
        %parallel_loop3A_886 = arith.constant 16 : i32
        %parallel_loop3A_887 = arith.muli %select_n3A_481, %parallel_loop3A_886 : i32
        %parallel_loop3A_888 = arith.addi %parallel_loop3A_887, %parallel_loop3A_559 : i32
        %parallel_loop3A_889 = arith.index_cast %parallel_loop3A_888 : i32 to index
        %parallel_loop3A_890 = arith.constant 416 : index
        %parallel_loop3A_891 = tpu.vector_load %arg7[%parallel_loop3A_889, %parallel_loop3A_890] {strides = array<i32>} : memref<64x768xf32, #tpu.memory_space<vmem>>, vector<1x16xf32>,
        %parallel_loop3A_892 = vector.shape_cast %parallel_loop3A_891 : vector<1x16xf32> to vector<16xf32>
        %parallel_loop3A_893 = arith.constant 16 : i32
        %parallel_loop3A_894 = arith.muli %select_n3A_481, %parallel_loop3A_893 : i32
        %parallel_loop3A_895 = arith.addi %parallel_loop3A_894, %parallel_loop3A_559 : i32
        %parallel_loop3A_896 = arith.index_cast %parallel_loop3A_895 : i32 to index
        %parallel_loop3A_897 = arith.constant 432 : index
        %parallel_loop3A_898 = tpu.vector_load %arg7[%parallel_loop3A_896, %parallel_loop3A_897] {strides = array<i32>} : memref<64x768xf32, #tpu.memory_space<vmem>>, vector<1x16xf32>,
        %parallel_loop3A_899 = vector.shape_cast %parallel_loop3A_898 : vector<1x16xf32> to vector<16xf32>
        %parallel_loop3A_900 = arith.constant 16 : i32
        %parallel_loop3A_901 = arith.muli %select_n3A_481, %parallel_loop3A_900 : i32
        %parallel_loop3A_902 = arith.addi %parallel_loop3A_901, %parallel_loop3A_559 : i32
        %parallel_loop3A_903 = arith.index_cast %parallel_loop3A_902 : i32 to index
        %parallel_loop3A_904 = arith.constant 448 : index
        %parallel_loop3A_905 = tpu.vector_load %arg7[%parallel_loop3A_903, %parallel_loop3A_904] {strides = array<i32>} : memref<64x768xf32, #tpu.memory_space<vmem>>, vector<1x16xf32>,
        %parallel_loop3A_906 = vector.shape_cast %parallel_loop3A_905 : vector<1x16xf32> to vector<16xf32>
        %parallel_loop3A_907 = arith.constant 16 : i32
        %parallel_loop3A_908 = arith.muli %select_n3A_481, %parallel_loop3A_907 : i32
        %parallel_loop3A_909 = arith.addi %parallel_loop3A_908, %parallel_loop3A_559 : i32
        %parallel_loop3A_910 = arith.index_cast %parallel_loop3A_909 : i32 to index
        %parallel_loop3A_911 = arith.constant 464 : index
        %parallel_loop3A_912 = tpu.vector_load %arg7[%parallel_loop3A_910, %parallel_loop3A_911] {strides = array<i32>} : memref<64x768xf32, #tpu.memory_space<vmem>>, vector<1x16xf32>,
        %parallel_loop3A_913 = vector.shape_cast %parallel_loop3A_912 : vector<1x16xf32> to vector<16xf32>
        %parallel_loop3A_914 = arith.constant 16 : i32
        %parallel_loop3A_915 = arith.muli %select_n3A_481, %parallel_loop3A_914 : i32
        %parallel_loop3A_916 = arith.addi %parallel_loop3A_915, %parallel_loop3A_559 : i32
        %parallel_loop3A_917 = arith.index_cast %parallel_loop3A_916 : i32 to index
        %parallel_loop3A_918 = arith.constant 480 : index
        %parallel_loop3A_919 = tpu.vector_load %arg7[%parallel_loop3A_917, %parallel_loop3A_918] {strides = array<i32>} : memref<64x768xf32, #tpu.memory_space<vmem>>, vector<1x16xf32>,
        %parallel_loop3A_920 = vector.shape_cast %parallel_loop3A_919 : vector<1x16xf32> to vector<16xf32>
        %parallel_loop3A_921 = arith.constant 16 : i32
        %parallel_loop3A_922 = arith.muli %select_n3A_481, %parallel_loop3A_921 : i32
        %parallel_loop3A_923 = arith.addi %parallel_loop3A_922, %parallel_loop3A_559 : i32
        %parallel_loop3A_924 = arith.index_cast %parallel_loop3A_923 : i32 to index
        %parallel_loop3A_925 = arith.constant 496 : index
        %parallel_loop3A_926 = tpu.vector_load %arg7[%parallel_loop3A_924, %parallel_loop3A_925] {strides = array<i32>} : memref<64x768xf32, #tpu.memory_space<vmem>>, vector<1x16xf32>,
        %parallel_loop3A_927 = vector.shape_cast %parallel_loop3A_926 : vector<1x16xf32> to vector<16xf32>
        %parallel_loop3A_928 = arith.index_cast %select_n3A_465 : i32 to index
        %parallel_loop3A_929 = arith.index_cast %parallel_loop3A_559 : i32 to index
        %parallel_loop3A_930 = arith.constant 384 : index
        %parallel_loop3A_931 = tpu.vector_load %arg8[%parallel_loop3A_928, %parallel_loop3A_929, %parallel_loop3A_930] {strides = array<i32>} : memref<6x16x768xf32, #tpu.memory_space<vmem>>, vector<1x1x16xf32>,
        %parallel_loop3A_932 = vector.shape_cast %parallel_loop3A_931 : vector<1x1x16xf32> to vector<16xf32>
        %parallel_loop3A_933 = vector.shape_cast %parallel_loop3A_878 : vector<16xf32> to vector<1x1x16xf32>
        tpu.vector_store %arg8[%parallel_loop3A_928, %parallel_loop3A_929, %parallel_loop3A_930], %parallel_loop3A_933 {add = true, strides = array<i32>} : memref<6x16x768xf32, #tpu.memory_space<vmem>>, vector<1x1x16xf32>,
        %parallel_loop3A_934 = arith.index_cast %select_n3A_465 : i32 to index
        %parallel_loop3A_935 = arith.index_cast %parallel_loop3A_559 : i32 to index
        %parallel_loop3A_936 = arith.constant 400 : index
        %parallel_loop3A_937 = tpu.vector_load %arg8[%parallel_loop3A_934, %parallel_loop3A_935, %parallel_loop3A_936] {strides = array<i32>} : memref<6x16x768xf32, #tpu.memory_space<vmem>>, vector<1x1x16xf32>,
        %parallel_loop3A_938 = vector.shape_cast %parallel_loop3A_937 : vector<1x1x16xf32> to vector<16xf32>
        %parallel_loop3A_939 = vector.shape_cast %parallel_loop3A_885 : vector<16xf32> to vector<1x1x16xf32>
        tpu.vector_store %arg8[%parallel_loop3A_934, %parallel_loop3A_935, %parallel_loop3A_936], %parallel_loop3A_939 {add = true, strides = array<i32>} : memref<6x16x768xf32, #tpu.memory_space<vmem>>, vector<1x1x16xf32>,
        %parallel_loop3A_940 = arith.index_cast %select_n3A_465 : i32 to index
        %parallel_loop3A_941 = arith.index_cast %parallel_loop3A_559 : i32 to index
        %parallel_loop3A_942 = arith.constant 416 : index
        %parallel_loop3A_943 = tpu.vector_load %arg8[%parallel_loop3A_940, %parallel_loop3A_941, %parallel_loop3A_942] {strides = array<i32>} : memref<6x16x768xf32, #tpu.memory_space<vmem>>, vector<1x1x16xf32>,
        %parallel_loop3A_944 = vector.shape_cast %parallel_loop3A_943 : vector<1x1x16xf32> to vector<16xf32>
        %parallel_loop3A_945 = vector.shape_cast %parallel_loop3A_892 : vector<16xf32> to vector<1x1x16xf32>
        tpu.vector_store %arg8[%parallel_loop3A_940, %parallel_loop3A_941, %parallel_loop3A_942], %parallel_loop3A_945 {add = true, strides = array<i32>} : memref<6x16x768xf32, #tpu.memory_space<vmem>>, vector<1x1x16xf32>,
        %parallel_loop3A_946 = arith.index_cast %select_n3A_465 : i32 to index
        %parallel_loop3A_947 = arith.index_cast %parallel_loop3A_559 : i32 to index
        %parallel_loop3A_948 = arith.constant 432 : index
        %parallel_loop3A_949 = tpu.vector_load %arg8[%parallel_loop3A_946, %parallel_loop3A_947, %parallel_loop3A_948] {strides = array<i32>} : memref<6x16x768xf32, #tpu.memory_space<vmem>>, vector<1x1x16xf32>,
        %parallel_loop3A_950 = vector.shape_cast %parallel_loop3A_949 : vector<1x1x16xf32> to vector<16xf32>
        %parallel_loop3A_951 = vector.shape_cast %parallel_loop3A_899 : vector<16xf32> to vector<1x1x16xf32>
        tpu.vector_store %arg8[%parallel_loop3A_946, %parallel_loop3A_947, %parallel_loop3A_948], %parallel_loop3A_951 {add = true, strides = array<i32>} : memref<6x16x768xf32, #tpu.memory_space<vmem>>, vector<1x1x16xf32>,
        %parallel_loop3A_952 = arith.index_cast %select_n3A_465 : i32 to index
        %parallel_loop3A_953 = arith.index_cast %parallel_loop3A_559 : i32 to index
        %parallel_loop3A_954 = arith.constant 448 : index
        %parallel_loop3A_955 = tpu.vector_load %arg8[%parallel_loop3A_952, %parallel_loop3A_953, %parallel_loop3A_954] {strides = array<i32>} : memref<6x16x768xf32, #tpu.memory_space<vmem>>, vector<1x1x16xf32>,
        %parallel_loop3A_956 = vector.shape_cast %parallel_loop3A_955 : vector<1x1x16xf32> to vector<16xf32>
        %parallel_loop3A_957 = vector.shape_cast %parallel_loop3A_906 : vector<16xf32> to vector<1x1x16xf32>
        tpu.vector_store %arg8[%parallel_loop3A_952, %parallel_loop3A_953, %parallel_loop3A_954], %parallel_loop3A_957 {add = true, strides = array<i32>} : memref<6x16x768xf32, #tpu.memory_space<vmem>>, vector<1x1x16xf32>,
        %parallel_loop3A_958 = arith.index_cast %select_n3A_465 : i32 to index
        %parallel_loop3A_959 = arith.index_cast %parallel_loop3A_559 : i32 to index
        %parallel_loop3A_960 = arith.constant 464 : index
        %parallel_loop3A_961 = tpu.vector_load %arg8[%parallel_loop3A_958, %parallel_loop3A_959, %parallel_loop3A_960] {strides = array<i32>} : memref<6x16x768xf32, #tpu.memory_space<vmem>>, vector<1x1x16xf32>,
        %parallel_loop3A_962 = vector.shape_cast %parallel_loop3A_961 : vector<1x1x16xf32> to vector<16xf32>
        %parallel_loop3A_963 = vector.shape_cast %parallel_loop3A_913 : vector<16xf32> to vector<1x1x16xf32>
        tpu.vector_store %arg8[%parallel_loop3A_958, %parallel_loop3A_959, %parallel_loop3A_960], %parallel_loop3A_963 {add = true, strides = array<i32>} : memref<6x16x768xf32, #tpu.memory_space<vmem>>, vector<1x1x16xf32>,
        %parallel_loop3A_964 = arith.index_cast %select_n3A_465 : i32 to index
        %parallel_loop3A_965 = arith.index_cast %parallel_loop3A_559 : i32 to index
        %parallel_loop3A_966 = arith.constant 480 : index
        %parallel_loop3A_967 = tpu.vector_load %arg8[%parallel_loop3A_964, %parallel_loop3A_965, %parallel_loop3A_966] {strides = array<i32>} : memref<6x16x768xf32, #tpu.memory_space<vmem>>, vector<1x1x16xf32>,
        %parallel_loop3A_968 = vector.shape_cast %parallel_loop3A_967 : vector<1x1x16xf32> to vector<16xf32>
        %parallel_loop3A_969 = vector.shape_cast %parallel_loop3A_920 : vector<16xf32> to vector<1x1x16xf32>
        tpu.vector_store %arg8[%parallel_loop3A_964, %parallel_loop3A_965, %parallel_loop3A_966], %parallel_loop3A_969 {add = true, strides = array<i32>} : memref<6x16x768xf32, #tpu.memory_space<vmem>>, vector<1x1x16xf32>,
        %parallel_loop3A_970 = arith.index_cast %select_n3A_465 : i32 to index
        %parallel_loop3A_971 = arith.index_cast %parallel_loop3A_559 : i32 to index
        %parallel_loop3A_972 = arith.constant 496 : index
        %parallel_loop3A_973 = tpu.vector_load %arg8[%parallel_loop3A_970, %parallel_loop3A_971, %parallel_loop3A_972] {strides = array<i32>} : memref<6x16x768xf32, #tpu.memory_space<vmem>>, vector<1x1x16xf32>,
        %parallel_loop3A_974 = vector.shape_cast %parallel_loop3A_973 : vector<1x1x16xf32> to vector<16xf32>
        %parallel_loop3A_975 = vector.shape_cast %parallel_loop3A_927 : vector<16xf32> to vector<1x1x16xf32>
        tpu.vector_store %arg8[%parallel_loop3A_970, %parallel_loop3A_971, %parallel_loop3A_972], %parallel_loop3A_975 {add = true, strides = array<i32>} : memref<6x16x768xf32, #tpu.memory_space<vmem>>, vector<1x1x16xf32>,
        %parallel_loop3A_976 = arith.constant 16 : i32
        %parallel_loop3A_977 = arith.muli %select_n3A_481, %parallel_loop3A_976 : i32
        %parallel_loop3A_978 = arith.addi %parallel_loop3A_977, %parallel_loop3A_559 : i32
        %parallel_loop3A_979 = arith.index_cast %parallel_loop3A_978 : i32 to index
        %parallel_loop3A_980 = arith.constant 512 : index
        %parallel_loop3A_981 = tpu.vector_load %arg7[%parallel_loop3A_979, %parallel_loop3A_980] {strides = array<i32>} : memref<64x768xf32, #tpu.memory_space<vmem>>, vector<1x16xf32>,
        %parallel_loop3A_982 = vector.shape_cast %parallel_loop3A_981 : vector<1x16xf32> to vector<16xf32>
        %parallel_loop3A_983 = arith.constant 16 : i32
        %parallel_loop3A_984 = arith.muli %select_n3A_481, %parallel_loop3A_983 : i32
        %parallel_loop3A_985 = arith.addi %parallel_loop3A_984, %parallel_loop3A_559 : i32
        %parallel_loop3A_986 = arith.index_cast %parallel_loop3A_985 : i32 to index
        %parallel_loop3A_987 = arith.constant 528 : index
        %parallel_loop3A_988 = tpu.vector_load %arg7[%parallel_loop3A_986, %parallel_loop3A_987] {strides = array<i32>} : memref<64x768xf32, #tpu.memory_space<vmem>>, vector<1x16xf32>,
        %parallel_loop3A_989 = vector.shape_cast %parallel_loop3A_988 : vector<1x16xf32> to vector<16xf32>
        %parallel_loop3A_990 = arith.constant 16 : i32
        %parallel_loop3A_991 = arith.muli %select_n3A_481, %parallel_loop3A_990 : i32
        %parallel_loop3A_992 = arith.addi %parallel_loop3A_991, %parallel_loop3A_559 : i32
        %parallel_loop3A_993 = arith.index_cast %parallel_loop3A_992 : i32 to index
        %parallel_loop3A_994 = arith.constant 544 : index
        %parallel_loop3A_995 = tpu.vector_load %arg7[%parallel_loop3A_993, %parallel_loop3A_994] {strides = array<i32>} : memref<64x768xf32, #tpu.memory_space<vmem>>, vector<1x16xf32>,
        %parallel_loop3A_996 = vector.shape_cast %parallel_loop3A_995 : vector<1x16xf32> to vector<16xf32>
        %parallel_loop3A_997 = arith.constant 16 : i32
        %parallel_loop3A_998 = arith.muli %select_n3A_481, %parallel_loop3A_997 : i32
        %parallel_loop3A_999 = arith.addi %parallel_loop3A_998, %parallel_loop3A_559 : i32
        %parallel_loop3A_1000 = arith.index_cast %parallel_loop3A_999 : i32 to index
        %parallel_loop3A_1001 = arith.constant 560 : index
        %parallel_loop3A_1002 = tpu.vector_load %arg7[%parallel_loop3A_1000, %parallel_loop3A_1001] {strides = array<i32>} : memref<64x768xf32, #tpu.memory_space<vmem>>, vector<1x16xf32>,
        %parallel_loop3A_1003 = vector.shape_cast %parallel_loop3A_1002 : vector<1x16xf32> to vector<16xf32>
        %parallel_loop3A_1004 = arith.constant 16 : i32
        %parallel_loop3A_1005 = arith.muli %select_n3A_481, %parallel_loop3A_1004 : i32
        %parallel_loop3A_1006 = arith.addi %parallel_loop3A_1005, %parallel_loop3A_559 : i32
        %parallel_loop3A_1007 = arith.index_cast %parallel_loop3A_1006 : i32 to index
        %parallel_loop3A_1008 = arith.constant 576 : index
        %parallel_loop3A_1009 = tpu.vector_load %arg7[%parallel_loop3A_1007, %parallel_loop3A_1008] {strides = array<i32>} : memref<64x768xf32, #tpu.memory_space<vmem>>, vector<1x16xf32>,
        %parallel_loop3A_1010 = vector.shape_cast %parallel_loop3A_1009 : vector<1x16xf32> to vector<16xf32>
        %parallel_loop3A_1011 = arith.constant 16 : i32
        %parallel_loop3A_1012 = arith.muli %select_n3A_481, %parallel_loop3A_1011 : i32
        %parallel_loop3A_1013 = arith.addi %parallel_loop3A_1012, %parallel_loop3A_559 : i32
        %parallel_loop3A_1014 = arith.index_cast %parallel_loop3A_1013 : i32 to index
        %parallel_loop3A_1015 = arith.constant 592 : index
        %parallel_loop3A_1016 = tpu.vector_load %arg7[%parallel_loop3A_1014, %parallel_loop3A_1015] {strides = array<i32>} : memref<64x768xf32, #tpu.memory_space<vmem>>, vector<1x16xf32>,
        %parallel_loop3A_1017 = vector.shape_cast %parallel_loop3A_1016 : vector<1x16xf32> to vector<16xf32>
        %parallel_loop3A_1018 = arith.constant 16 : i32
        %parallel_loop3A_1019 = arith.muli %select_n3A_481, %parallel_loop3A_1018 : i32
        %parallel_loop3A_1020 = arith.addi %parallel_loop3A_1019, %parallel_loop3A_559 : i32
        %parallel_loop3A_1021 = arith.index_cast %parallel_loop3A_1020 : i32 to index
        %parallel_loop3A_1022 = arith.constant 608 : index
        %parallel_loop3A_1023 = tpu.vector_load %arg7[%parallel_loop3A_1021, %parallel_loop3A_1022] {strides = array<i32>} : memref<64x768xf32, #tpu.memory_space<vmem>>, vector<1x16xf32>,
        %parallel_loop3A_1024 = vector.shape_cast %parallel_loop3A_1023 : vector<1x16xf32> to vector<16xf32>
        %parallel_loop3A_1025 = arith.constant 16 : i32
        %parallel_loop3A_1026 = arith.muli %select_n3A_481, %parallel_loop3A_1025 : i32
        %parallel_loop3A_1027 = arith.addi %parallel_loop3A_1026, %parallel_loop3A_559 : i32
        %parallel_loop3A_1028 = arith.index_cast %parallel_loop3A_1027 : i32 to index
        %parallel_loop3A_1029 = arith.constant 624 : index
        %parallel_loop3A_1030 = tpu.vector_load %arg7[%parallel_loop3A_1028, %parallel_loop3A_1029] {strides = array<i32>} : memref<64x768xf32, #tpu.memory_space<vmem>>, vector<1x16xf32>,
        %parallel_loop3A_1031 = vector.shape_cast %parallel_loop3A_1030 : vector<1x16xf32> to vector<16xf32>
        %parallel_loop3A_1032 = arith.index_cast %select_n3A_465 : i32 to index
        %parallel_loop3A_1033 = arith.index_cast %parallel_loop3A_559 : i32 to index
        %parallel_loop3A_1034 = arith.constant 512 : index
        %parallel_loop3A_1035 = tpu.vector_load %arg8[%parallel_loop3A_1032, %parallel_loop3A_1033, %parallel_loop3A_1034] {strides = array<i32>} : memref<6x16x768xf32, #tpu.memory_space<vmem>>, vector<1x1x16xf32>,
        %parallel_loop3A_1036 = vector.shape_cast %parallel_loop3A_1035 : vector<1x1x16xf32> to vector<16xf32>
        %parallel_loop3A_1037 = vector.shape_cast %parallel_loop3A_982 : vector<16xf32> to vector<1x1x16xf32>
        tpu.vector_store %arg8[%parallel_loop3A_1032, %parallel_loop3A_1033, %parallel_loop3A_1034], %parallel_loop3A_1037 {add = true, strides = array<i32>} : memref<6x16x768xf32, #tpu.memory_space<vmem>>, vector<1x1x16xf32>,
        %parallel_loop3A_1038 = arith.index_cast %select_n3A_465 : i32 to index
        %parallel_loop3A_1039 = arith.index_cast %parallel_loop3A_559 : i32 to index
        %parallel_loop3A_1040 = arith.constant 528 : index
        %parallel_loop3A_1041 = tpu.vector_load %arg8[%parallel_loop3A_1038, %parallel_loop3A_1039, %parallel_loop3A_1040] {strides = array<i32>} : memref<6x16x768xf32, #tpu.memory_space<vmem>>, vector<1x1x16xf32>,
        %parallel_loop3A_1042 = vector.shape_cast %parallel_loop3A_1041 : vector<1x1x16xf32> to vector<16xf32>
        %parallel_loop3A_1043 = vector.shape_cast %parallel_loop3A_989 : vector<16xf32> to vector<1x1x16xf32>
        tpu.vector_store %arg8[%parallel_loop3A_1038, %parallel_loop3A_1039, %parallel_loop3A_1040], %parallel_loop3A_1043 {add = true, strides = array<i32>} : memref<6x16x768xf32, #tpu.memory_space<vmem>>, vector<1x1x16xf32>,
        %parallel_loop3A_1044 = arith.index_cast %select_n3A_465 : i32 to index
        %parallel_loop3A_1045 = arith.index_cast %parallel_loop3A_559 : i32 to index
        %parallel_loop3A_1046 = arith.constant 544 : index
        %parallel_loop3A_1047 = tpu.vector_load %arg8[%parallel_loop3A_1044, %parallel_loop3A_1045, %parallel_loop3A_1046] {strides = array<i32>} : memref<6x16x768xf32, #tpu.memory_space<vmem>>, vector<1x1x16xf32>,
        %parallel_loop3A_1048 = vector.shape_cast %parallel_loop3A_1047 : vector<1x1x16xf32> to vector<16xf32>
        %parallel_loop3A_1049 = vector.shape_cast %parallel_loop3A_996 : vector<16xf32> to vector<1x1x16xf32>
        tpu.vector_store %arg8[%parallel_loop3A_1044, %parallel_loop3A_1045, %parallel_loop3A_1046], %parallel_loop3A_1049 {add = true, strides = array<i32>} : memref<6x16x768xf32, #tpu.memory_space<vmem>>, vector<1x1x16xf32>,
        %parallel_loop3A_1050 = arith.index_cast %select_n3A_465 : i32 to index
        %parallel_loop3A_1051 = arith.index_cast %parallel_loop3A_559 : i32 to index
        %parallel_loop3A_1052 = arith.constant 560 : index
        %parallel_loop3A_1053 = tpu.vector_load %arg8[%parallel_loop3A_1050, %parallel_loop3A_1051, %parallel_loop3A_1052] {strides = array<i32>} : memref<6x16x768xf32, #tpu.memory_space<vmem>>, vector<1x1x16xf32>,
        %parallel_loop3A_1054 = vector.shape_cast %parallel_loop3A_1053 : vector<1x1x16xf32> to vector<16xf32>
        %parallel_loop3A_1055 = vector.shape_cast %parallel_loop3A_1003 : vector<16xf32> to vector<1x1x16xf32>
        tpu.vector_store %arg8[%parallel_loop3A_1050, %parallel_loop3A_1051, %parallel_loop3A_1052], %parallel_loop3A_1055 {add = true, strides = array<i32>} : memref<6x16x768xf32, #tpu.memory_space<vmem>>, vector<1x1x16xf32>,
        %parallel_loop3A_1056 = arith.index_cast %select_n3A_465 : i32 to index
        %parallel_loop3A_1057 = arith.index_cast %parallel_loop3A_559 : i32 to index
        %parallel_loop3A_1058 = arith.constant 576 : index
        %parallel_loop3A_1059 = tpu.vector_load %arg8[%parallel_loop3A_1056, %parallel_loop3A_1057, %parallel_loop3A_1058] {strides = array<i32>} : memref<6x16x768xf32, #tpu.memory_space<vmem>>, vector<1x1x16xf32>,
        %parallel_loop3A_1060 = vector.shape_cast %parallel_loop3A_1059 : vector<1x1x16xf32> to vector<16xf32>
        %parallel_loop3A_1061 = vector.shape_cast %parallel_loop3A_1010 : vector<16xf32> to vector<1x1x16xf32>
        tpu.vector_store %arg8[%parallel_loop3A_1056, %parallel_loop3A_1057, %parallel_loop3A_1058], %parallel_loop3A_1061 {add = true, strides = array<i32>} : memref<6x16x768xf32, #tpu.memory_space<vmem>>, vector<1x1x16xf32>,
        %parallel_loop3A_1062 = arith.index_cast %select_n3A_465 : i32 to index
        %parallel_loop3A_1063 = arith.index_cast %parallel_loop3A_559 : i32 to index
        %parallel_loop3A_1064 = arith.constant 592 : index
        %parallel_loop3A_1065 = tpu.vector_load %arg8[%parallel_loop3A_1062, %parallel_loop3A_1063, %parallel_loop3A_1064] {strides = array<i32>} : memref<6x16x768xf32, #tpu.memory_space<vmem>>, vector<1x1x16xf32>,
        %parallel_loop3A_1066 = vector.shape_cast %parallel_loop3A_1065 : vector<1x1x16xf32> to vector<16xf32>
        %parallel_loop3A_1067 = vector.shape_cast %parallel_loop3A_1017 : vector<16xf32> to vector<1x1x16xf32>
        tpu.vector_store %arg8[%parallel_loop3A_1062, %parallel_loop3A_1063, %parallel_loop3A_1064], %parallel_loop3A_1067 {add = true, strides = array<i32>} : memref<6x16x768xf32, #tpu.memory_space<vmem>>, vector<1x1x16xf32>,
        %parallel_loop3A_1068 = arith.index_cast %select_n3A_465 : i32 to index
        %parallel_loop3A_1069 = arith.index_cast %parallel_loop3A_559 : i32 to index
        %parallel_loop3A_1070 = arith.constant 608 : index
        %parallel_loop3A_1071 = tpu.vector_load %arg8[%parallel_loop3A_1068, %parallel_loop3A_1069, %parallel_loop3A_1070] {strides = array<i32>} : memref<6x16x768xf32, #tpu.memory_space<vmem>>, vector<1x1x16xf32>,
        %parallel_loop3A_1072 = vector.shape_cast %parallel_loop3A_1071 : vector<1x1x16xf32> to vector<16xf32>
        %parallel_loop3A_1073 = vector.shape_cast %parallel_loop3A_1024 : vector<16xf32> to vector<1x1x16xf32>
        tpu.vector_store %arg8[%parallel_loop3A_1068, %parallel_loop3A_1069, %parallel_loop3A_1070], %parallel_loop3A_1073 {add = true, strides = array<i32>} : memref<6x16x768xf32, #tpu.memory_space<vmem>>, vector<1x1x16xf32>,
        %parallel_loop3A_1074 = arith.index_cast %select_n3A_465 : i32 to index
        %parallel_loop3A_1075 = arith.index_cast %parallel_loop3A_559 : i32 to index
        %parallel_loop3A_1076 = arith.constant 624 : index
        %parallel_loop3A_1077 = tpu.vector_load %arg8[%parallel_loop3A_1074, %parallel_loop3A_1075, %parallel_loop3A_1076] {strides = array<i32>} : memref<6x16x768xf32, #tpu.memory_space<vmem>>, vector<1x1x16xf32>,
        %parallel_loop3A_1078 = vector.shape_cast %parallel_loop3A_1077 : vector<1x1x16xf32> to vector<16xf32>
        %parallel_loop3A_1079 = vector.shape_cast %parallel_loop3A_1031 : vector<16xf32> to vector<1x1x16xf32>
        tpu.vector_store %arg8[%parallel_loop3A_1074, %parallel_loop3A_1075, %parallel_loop3A_1076], %parallel_loop3A_1079 {add = true, strides = array<i32>} : memref<6x16x768xf32, #tpu.memory_space<vmem>>, vector<1x1x16xf32>,
        %parallel_loop3A_1080 = arith.constant 16 : i32
        %parallel_loop3A_1081 = arith.muli %select_n3A_481, %parallel_loop3A_1080 : i32
        %parallel_loop3A_1082 = arith.addi %parallel_loop3A_1081, %parallel_loop3A_559 : i32
        %parallel_loop3A_1083 = arith.index_cast %parallel_loop3A_1082 : i32 to index
        %parallel_loop3A_1084 = arith.constant 640 : index
        %parallel_loop3A_1085 = tpu.vector_load %arg7[%parallel_loop3A_1083, %parallel_loop3A_1084] {strides = array<i32>} : memref<64x768xf32, #tpu.memory_space<vmem>>, vector<1x16xf32>,
        %parallel_loop3A_1086 = vector.shape_cast %parallel_loop3A_1085 : vector<1x16xf32> to vector<16xf32>
        %parallel_loop3A_1087 = arith.constant 16 : i32
        %parallel_loop3A_1088 = arith.muli %select_n3A_481, %parallel_loop3A_1087 : i32
        %parallel_loop3A_1089 = arith.addi %parallel_loop3A_1088, %parallel_loop3A_559 : i32
        %parallel_loop3A_1090 = arith.index_cast %parallel_loop3A_1089 : i32 to index
        %parallel_loop3A_1091 = arith.constant 656 : index
        %parallel_loop3A_1092 = tpu.vector_load %arg7[%parallel_loop3A_1090, %parallel_loop3A_1091] {strides = array<i32>} : memref<64x768xf32, #tpu.memory_space<vmem>>, vector<1x16xf32>,
        %parallel_loop3A_1093 = vector.shape_cast %parallel_loop3A_1092 : vector<1x16xf32> to vector<16xf32>
        %parallel_loop3A_1094 = arith.constant 16 : i32
        %parallel_loop3A_1095 = arith.muli %select_n3A_481, %parallel_loop3A_1094 : i32
        %parallel_loop3A_1096 = arith.addi %parallel_loop3A_1095, %parallel_loop3A_559 : i32
        %parallel_loop3A_1097 = arith.index_cast %parallel_loop3A_1096 : i32 to index
        %parallel_loop3A_1098 = arith.constant 672 : index
        %parallel_loop3A_1099 = tpu.vector_load %arg7[%parallel_loop3A_1097, %parallel_loop3A_1098] {strides = array<i32>} : memref<64x768xf32, #tpu.memory_space<vmem>>, vector<1x16xf32>,
        %parallel_loop3A_1100 = vector.shape_cast %parallel_loop3A_1099 : vector<1x16xf32> to vector<16xf32>
        %parallel_loop3A_1101 = arith.constant 16 : i32
        %parallel_loop3A_1102 = arith.muli %select_n3A_481, %parallel_loop3A_1101 : i32
        %parallel_loop3A_1103 = arith.addi %parallel_loop3A_1102, %parallel_loop3A_559 : i32
        %parallel_loop3A_1104 = arith.index_cast %parallel_loop3A_1103 : i32 to index
        %parallel_loop3A_1105 = arith.constant 688 : index
        %parallel_loop3A_1106 = tpu.vector_load %arg7[%parallel_loop3A_1104, %parallel_loop3A_1105] {strides = array<i32>} : memref<64x768xf32, #tpu.memory_space<vmem>>, vector<1x16xf32>,
        %parallel_loop3A_1107 = vector.shape_cast %parallel_loop3A_1106 : vector<1x16xf32> to vector<16xf32>
        %parallel_loop3A_1108 = arith.constant 16 : i32
        %parallel_loop3A_1109 = arith.muli %select_n3A_481, %parallel_loop3A_1108 : i32
        %parallel_loop3A_1110 = arith.addi %parallel_loop3A_1109, %parallel_loop3A_559 : i32
        %parallel_loop3A_1111 = arith.index_cast %parallel_loop3A_1110 : i32 to index
        %parallel_loop3A_1112 = arith.constant 704 : index
        %parallel_loop3A_1113 = tpu.vector_load %arg7[%parallel_loop3A_1111, %parallel_loop3A_1112] {strides = array<i32>} : memref<64x768xf32, #tpu.memory_space<vmem>>, vector<1x16xf32>,
        %parallel_loop3A_1114 = vector.shape_cast %parallel_loop3A_1113 : vector<1x16xf32> to vector<16xf32>
        %parallel_loop3A_1115 = arith.constant 16 : i32
        %parallel_loop3A_1116 = arith.muli %select_n3A_481, %parallel_loop3A_1115 : i32
        %parallel_loop3A_1117 = arith.addi %parallel_loop3A_1116, %parallel_loop3A_559 : i32
        %parallel_loop3A_1118 = arith.index_cast %parallel_loop3A_1117 : i32 to index
        %parallel_loop3A_1119 = arith.constant 720 : index
        %parallel_loop3A_1120 = tpu.vector_load %arg7[%parallel_loop3A_1118, %parallel_loop3A_1119] {strides = array<i32>} : memref<64x768xf32, #tpu.memory_space<vmem>>, vector<1x16xf32>,
        %parallel_loop3A_1121 = vector.shape_cast %parallel_loop3A_1120 : vector<1x16xf32> to vector<16xf32>
        %parallel_loop3A_1122 = arith.constant 16 : i32
        %parallel_loop3A_1123 = arith.muli %select_n3A_481, %parallel_loop3A_1122 : i32
        %parallel_loop3A_1124 = arith.addi %parallel_loop3A_1123, %parallel_loop3A_559 : i32
        %parallel_loop3A_1125 = arith.index_cast %parallel_loop3A_1124 : i32 to index
        %parallel_loop3A_1126 = arith.constant 736 : index
        %parallel_loop3A_1127 = tpu.vector_load %arg7[%parallel_loop3A_1125, %parallel_loop3A_1126] {strides = array<i32>} : memref<64x768xf32, #tpu.memory_space<vmem>>, vector<1x16xf32>,
        %parallel_loop3A_1128 = vector.shape_cast %parallel_loop3A_1127 : vector<1x16xf32> to vector<16xf32>
        %parallel_loop3A_1129 = arith.constant 16 : i32
        %parallel_loop3A_1130 = arith.muli %select_n3A_481, %parallel_loop3A_1129 : i32
        %parallel_loop3A_1131 = arith.addi %parallel_loop3A_1130, %parallel_loop3A_559 : i32
        %parallel_loop3A_1132 = arith.index_cast %parallel_loop3A_1131 : i32 to index
        %parallel_loop3A_1133 = arith.constant 752 : index
        %parallel_loop3A_1134 = tpu.vector_load %arg7[%parallel_loop3A_1132, %parallel_loop3A_1133] {strides = array<i32>} : memref<64x768xf32, #tpu.memory_space<vmem>>, vector<1x16xf32>,
        %parallel_loop3A_1135 = vector.shape_cast %parallel_loop3A_1134 : vector<1x16xf32> to vector<16xf32>
        %parallel_loop3A_1136 = arith.index_cast %select_n3A_465 : i32 to index
        %parallel_loop3A_1137 = arith.index_cast %parallel_loop3A_559 : i32 to index
        %parallel_loop3A_1138 = arith.constant 640 : index
        %parallel_loop3A_1139 = tpu.vector_load %arg8[%parallel_loop3A_1136, %parallel_loop3A_1137, %parallel_loop3A_1138] {strides = array<i32>} : memref<6x16x768xf32, #tpu.memory_space<vmem>>, vector<1x1x16xf32>,
        %parallel_loop3A_1140 = vector.shape_cast %parallel_loop3A_1139 : vector<1x1x16xf32> to vector<16xf32>
        %parallel_loop3A_1141 = vector.shape_cast %parallel_loop3A_1086 : vector<16xf32> to vector<1x1x16xf32>
        tpu.vector_store %arg8[%parallel_loop3A_1136, %parallel_loop3A_1137, %parallel_loop3A_1138], %parallel_loop3A_1141 {add = true, strides = array<i32>} : memref<6x16x768xf32, #tpu.memory_space<vmem>>, vector<1x1x16xf32>,
        %parallel_loop3A_1142 = arith.index_cast %select_n3A_465 : i32 to index
        %parallel_loop3A_1143 = arith.index_cast %parallel_loop3A_559 : i32 to index
        %parallel_loop3A_1144 = arith.constant 656 : index
        %parallel_loop3A_1145 = tpu.vector_load %arg8[%parallel_loop3A_1142, %parallel_loop3A_1143, %parallel_loop3A_1144] {strides = array<i32>} : memref<6x16x768xf32, #tpu.memory_space<vmem>>, vector<1x1x16xf32>,
        %parallel_loop3A_1146 = vector.shape_cast %parallel_loop3A_1145 : vector<1x1x16xf32> to vector<16xf32>
        %parallel_loop3A_1147 = vector.shape_cast %parallel_loop3A_1093 : vector<16xf32> to vector<1x1x16xf32>
        tpu.vector_store %arg8[%parallel_loop3A_1142, %parallel_loop3A_1143, %parallel_loop3A_1144], %parallel_loop3A_1147 {add = true, strides = array<i32>} : memref<6x16x768xf32, #tpu.memory_space<vmem>>, vector<1x1x16xf32>,
        %parallel_loop3A_1148 = arith.index_cast %select_n3A_465 : i32 to index
        %parallel_loop3A_1149 = arith.index_cast %parallel_loop3A_559 : i32 to index
        %parallel_loop3A_1150 = arith.constant 672 : index
        %parallel_loop3A_1151 = tpu.vector_load %arg8[%parallel_loop3A_1148, %parallel_loop3A_1149, %parallel_loop3A_1150] {strides = array<i32>} : memref<6x16x768xf32, #tpu.memory_space<vmem>>, vector<1x1x16xf32>,
        %parallel_loop3A_1152 = vector.shape_cast %parallel_loop3A_1151 : vector<1x1x16xf32> to vector<16xf32>
        %parallel_loop3A_1153 = vector.shape_cast %parallel_loop3A_1100 : vector<16xf32> to vector<1x1x16xf32>
        tpu.vector_store %arg8[%parallel_loop3A_1148, %parallel_loop3A_1149, %parallel_loop3A_1150], %parallel_loop3A_1153 {add = true, strides = array<i32>} : memref<6x16x768xf32, #tpu.memory_space<vmem>>, vector<1x1x16xf32>,
        %parallel_loop3A_1154 = arith.index_cast %select_n3A_465 : i32 to index
        %parallel_loop3A_1155 = arith.index_cast %parallel_loop3A_559 : i32 to index
        %parallel_loop3A_1156 = arith.constant 688 : index
        %parallel_loop3A_1157 = tpu.vector_load %arg8[%parallel_loop3A_1154, %parallel_loop3A_1155, %parallel_loop3A_1156] {strides = array<i32>} : memref<6x16x768xf32, #tpu.memory_space<vmem>>, vector<1x1x16xf32>,
        %parallel_loop3A_1158 = vector.shape_cast %parallel_loop3A_1157 : vector<1x1x16xf32> to vector<16xf32>
        %parallel_loop3A_1159 = vector.shape_cast %parallel_loop3A_1107 : vector<16xf32> to vector<1x1x16xf32>
        tpu.vector_store %arg8[%parallel_loop3A_1154, %parallel_loop3A_1155, %parallel_loop3A_1156], %parallel_loop3A_1159 {add = true, strides = array<i32>} : memref<6x16x768xf32, #tpu.memory_space<vmem>>, vector<1x1x16xf32>,
        %parallel_loop3A_1160 = arith.index_cast %select_n3A_465 : i32 to index
        %parallel_loop3A_1161 = arith.index_cast %parallel_loop3A_559 : i32 to index
        %parallel_loop3A_1162 = arith.constant 704 : index
        %parallel_loop3A_1163 = tpu.vector_load %arg8[%parallel_loop3A_1160, %parallel_loop3A_1161, %parallel_loop3A_1162] {strides = array<i32>} : memref<6x16x768xf32, #tpu.memory_space<vmem>>, vector<1x1x16xf32>,
        %parallel_loop3A_1164 = vector.shape_cast %parallel_loop3A_1163 : vector<1x1x16xf32> to vector<16xf32>
        %parallel_loop3A_1165 = vector.shape_cast %parallel_loop3A_1114 : vector<16xf32> to vector<1x1x16xf32>
        tpu.vector_store %arg8[%parallel_loop3A_1160, %parallel_loop3A_1161, %parallel_loop3A_1162], %parallel_loop3A_1165 {add = true, strides = array<i32>} : memref<6x16x768xf32, #tpu.memory_space<vmem>>, vector<1x1x16xf32>,
        %parallel_loop3A_1166 = arith.index_cast %select_n3A_465 : i32 to index
        %parallel_loop3A_1167 = arith.index_cast %parallel_loop3A_559 : i32 to index
        %parallel_loop3A_1168 = arith.constant 720 : index
        %parallel_loop3A_1169 = tpu.vector_load %arg8[%parallel_loop3A_1166, %parallel_loop3A_1167, %parallel_loop3A_1168] {strides = array<i32>} : memref<6x16x768xf32, #tpu.memory_space<vmem>>, vector<1x1x16xf32>,
        %parallel_loop3A_1170 = vector.shape_cast %parallel_loop3A_1169 : vector<1x1x16xf32> to vector<16xf32>
        %parallel_loop3A_1171 = vector.shape_cast %parallel_loop3A_1121 : vector<16xf32> to vector<1x1x16xf32>
        tpu.vector_store %arg8[%parallel_loop3A_1166, %parallel_loop3A_1167, %parallel_loop3A_1168], %parallel_loop3A_1171 {add = true, strides = array<i32>} : memref<6x16x768xf32, #tpu.memory_space<vmem>>, vector<1x1x16xf32>,
        %parallel_loop3A_1172 = arith.index_cast %select_n3A_465 : i32 to index
        %parallel_loop3A_1173 = arith.index_cast %parallel_loop3A_559 : i32 to index
        %parallel_loop3A_1174 = arith.constant 736 : index
        %parallel_loop3A_1175 = tpu.vector_load %arg8[%parallel_loop3A_1172, %parallel_loop3A_1173, %parallel_loop3A_1174] {strides = array<i32>} : memref<6x16x768xf32, #tpu.memory_space<vmem>>, vector<1x1x16xf32>,
        %parallel_loop3A_1176 = vector.shape_cast %parallel_loop3A_1175 : vector<1x1x16xf32> to vector<16xf32>
        %parallel_loop3A_1177 = vector.shape_cast %parallel_loop3A_1128 : vector<16xf32> to vector<1x1x16xf32>
        tpu.vector_store %arg8[%parallel_loop3A_1172, %parallel_loop3A_1173, %parallel_loop3A_1174], %parallel_loop3A_1177 {add = true, strides = array<i32>} : memref<6x16x768xf32, #tpu.memory_space<vmem>>, vector<1x1x16xf32>,
        %parallel_loop3A_1178 = arith.index_cast %select_n3A_465 : i32 to index
        %parallel_loop3A_1179 = arith.index_cast %parallel_loop3A_559 : i32 to index
        %parallel_loop3A_1180 = arith.constant 752 : index
        %parallel_loop3A_1181 = tpu.vector_load %arg8[%parallel_loop3A_1178, %parallel_loop3A_1179, %parallel_loop3A_1180] {strides = array<i32>} : memref<6x16x768xf32, #tpu.memory_space<vmem>>, vector<1x1x16xf32>,
        %parallel_loop3A_1182 = vector.shape_cast %parallel_loop3A_1181 : vector<1x1x16xf32> to vector<16xf32>
        %parallel_loop3A_1183 = vector.shape_cast %parallel_loop3A_1135 : vector<16xf32> to vector<1x1x16xf32>
        tpu.vector_store %arg8[%parallel_loop3A_1178, %parallel_loop3A_1179, %parallel_loop3A_1180], %parallel_loop3A_1183 {add = true, strides = array<i32>} : memref<6x16x768xf32, #tpu.memory_space<vmem>>, vector<1x1x16xf32>,
      } {sc.loop_unroll_factor = 2 : i64, sc.parallel_access}
      %jit3A_484 = arith.constant 4 : i32
      %div3A_485 = arith.divsi %add3A_375, %jit3A_484 : i32
      %sign3A_486 = arith.constant 0 : i32
      %sign3A_487 = arith.cmpi sgt, %add3A_375, %sign3A_486 : i32
      %sign3A_488 = arith.extui %sign3A_487 : i1 to i32
      %sign3A_489 = arith.constant 0 : i32
      %sign3A_490 = arith.cmpi slt, %add3A_375, %sign3A_489 : i32
      %sign3A_491 = arith.extui %sign3A_490 : i1 to i32
      %sign3A_492 = arith.subi %sign3A_488, %sign3A_491 : i32
      %sign3A_493 = arith.constant 0 : i32
      %sign3A_494 = arith.cmpi sgt, %jit3A_484, %sign3A_493 : i32
      %sign3A_495 = arith.extui %sign3A_494 : i1 to i32
      %sign3A_496 = arith.constant 0 : i32
      %sign3A_497 = arith.cmpi slt, %jit3A_484, %sign3A_496 : i32
      %sign3A_498 = arith.extui %sign3A_497 : i1 to i32
      %sign3A_499 = arith.subi %sign3A_495, %sign3A_498 : i32
      %ne3A_500 = arith.cmpi ne, %sign3A_492, %sign3A_499 : i32
      %rem3A_501 = arith.remsi %add3A_375, %jit3A_484 : i32
      %ne3A_502 = arith.constant 0 : i32
      %ne3A_503 = arith.cmpi ne, %rem3A_501, %ne3A_502 : i32
      %and3A_504 = arith.andi %ne3A_500, %ne3A_503 : i1
      %sub3A_505 = arith.constant 1 : i32
      %sub3A_506 = arith.subi %div3A_485, %sub3A_505 : i32
      %select_n3A_507 = arith.select %and3A_504, %sub3A_506, %div3A_485 : i32
      %jit3A_508 = arith.constant 4 : i32
      %eq3A_509 = arith.constant 0 : i32
      %eq3A_510 = arith.cmpi eq, %jit3A_508, %eq3A_509 : i32
      %jit3A_511 = arith.constant 1 : i32
      %select_n3A_512 = arith.select %eq3A_510, %jit3A_511, %jit3A_508 : i32
      %rem3A_513 = arith.remsi %add3A_375, %select_n3A_512 : i32
      %ne3A_514 = arith.constant 0 : i32
      %ne3A_515 = arith.cmpi ne, %rem3A_513, %ne3A_514 : i32
      %lt3A_516 = arith.constant 0 : i32
      %lt3A_517 = arith.cmpi slt, %rem3A_513, %lt3A_516 : i32
      %lt3A_518 = arith.constant 0 : i32
      %lt3A_519 = arith.cmpi slt, %select_n3A_512, %lt3A_518 : i32
      %ne3A_520 = arith.xori %lt3A_517, %lt3A_519 : i1
      %and3A_521 = arith.andi %ne3A_520, %ne3A_515 : i1
      %add3A_522 = arith.addi %rem3A_513, %select_n3A_512 : i32
      %select_n3A_523 = arith.select %and3A_521, %add3A_522, %rem3A_513 : i32
      %jit3A_524 = arith.constant 6 : i32
      %eq3A_525 = arith.constant 0 : i32
      %eq3A_526 = arith.cmpi eq, %jit3A_524, %eq3A_525 : i32
      %jit3A_527 = arith.constant 1 : i32
      %select_n3A_528 = arith.select %eq3A_526, %jit3A_527, %jit3A_524 : i32
      %rem3A_529 = arith.remsi %add3A_375, %select_n3A_528 : i32
      %ne3A_530 = arith.constant 0 : i32
      %ne3A_531 = arith.cmpi ne, %rem3A_529, %ne3A_530 : i32
      %lt3A_532 = arith.constant 0 : i32
      %lt3A_533 = arith.cmpi slt, %rem3A_529, %lt3A_532 : i32
      %lt3A_534 = arith.constant 0 : i32
      %lt3A_535 = arith.cmpi slt, %select_n3A_528, %lt3A_534 : i32
      %ne3A_536 = arith.xori %lt3A_533, %lt3A_535 : i1
      %and3A_537 = arith.andi %ne3A_536, %ne3A_531 : i1
      %add3A_538 = arith.addi %rem3A_529, %select_n3A_528 : i32
      %select_n3A_539 = arith.select %and3A_537, %add3A_538, %rem3A_529 : i32
      %mul3A_540 = arith.constant 16 : i32
      %mul3A_541 = arith.muli %select_n3A_523, %mul3A_540 : i32
      %add3A_542 = arith.addi %mul3A_2, %mul3A_541 : i32
      %dma_start3A_543 = arith.constant 0 : i32
      %dma_start3A_544 = arith.constant 0 : i32
      %dma_start3A_545 = tpu.memref_slice %arg8[%select_n3A_539, %dma_start3A_543, %dma_start3A_544] : memref<6x16x768xf32, #tpu.memory_space<vmem>> -> memref<1x16x768xf32, #tpu.memory_space<vmem>>
      %dma_start3A_546 = tpu.memref_squeeze %dma_start3A_545 : memref<1x16x768xf32, #tpu.memory_space<vmem>> -> memref<16x768xf32, #tpu.memory_space<vmem>>
      %dma_start3A_547 = arith.constant 0 : i32
      %dma_start3A_548 = tpu.memref_slice %arg5[%select_n3A_507, %add3A_542, %dma_start3A_547] : memref<4x2048x768xf32, #tpu.memory_space<hbm>> -> memref<1x16x768xf32, #tpu.memory_space<hbm>>
      %dma_start3A_549 = tpu.memref_squeeze %dma_start3A_548 : memref<1x16x768xf32, #tpu.memory_space<hbm>> -> memref<16x768xf32, #tpu.memory_space<hbm>>
      %dma_start3A_550 = tpu.memref_slice %arg12[%select_n3A_539] : memref<6x!tpu.dma_semaphore, #tpu.memory_space<semaphore_mem>> -> memref<1x!tpu.dma_semaphore, #tpu.memory_space<semaphore_mem>>
      %dma_start3A_551 = tpu.memref_squeeze %dma_start3A_550 : memref<1x!tpu.dma_semaphore, #tpu.memory_space<semaphore_mem>> -> memref<!tpu.dma_semaphore, #tpu.memory_space<semaphore_mem>>
      %dma_start3A_552 = arith.constant 0 : i32
      %dma_start3A_553 = tpu.memref_slice %arg5[%select_n3A_507, %add3A_542, %dma_start3A_552] : memref<4x2048x768xf32, #tpu.memory_space<hbm>> -> memref<1x16x768xf32, #tpu.memory_space<hbm>>
      %dma_start3A_554 = tpu.memref_squeeze %dma_start3A_553 : memref<1x16x768xf32, #tpu.memory_space<hbm>> -> memref<16x768xf32, #tpu.memory_space<hbm>>
      %dma_start3A_555 = arith.constant 0 : i32
      %dma_start3A_556 = arith.constant 0 : i32
      %dma_start3A_557 = tpu.memref_slice %arg8[%select_n3A_539, %dma_start3A_555, %dma_start3A_556] : memref<6x16x768xf32, #tpu.memory_space<vmem>> -> memref<1x16x768xf32, #tpu.memory_space<vmem>>
      %dma_start3A_558 = tpu.memref_squeeze %dma_start3A_557 : memref<1x16x768xf32, #tpu.memory_space<vmem>> -> memref<16x768xf32, #tpu.memory_space<vmem>>
      tpu.enqueue_dma source(%dma_start3A_558 : memref<16x768xf32, #tpu.memory_space<vmem>>) target(%dma_start3A_554 : memref<16x768xf32, #tpu.memory_space<hbm>>) target_semaphore(%dma_start3A_551 : memref<!tpu.dma_semaphore, #tpu.memory_space<semaphore_mem>>)
    }
    %scan3A_244 = arith.constant 16 : i32
    %add3A_245 = arith.constant 32 : i32
    %add3A_246 = arith.addi %mul3A_2, %add3A_245 : i32
    %dma_wait3A_247 = arith.constant 4 : i32
    %dma_wait3A_248 = arith.constant 2 : i32
    %dma_wait3A_249 = arith.constant 4 : i32
    %dma_wait3A_250 = arith.constant 0 : i32
    %dma_wait3A_251 = arith.constant 0 : i32
    %dma_wait3A_252 = tpu.memref_slice %arg8[%dma_wait3A_247, %dma_wait3A_250, %dma_wait3A_251] : memref<6x16x768xf32, #tpu.memory_space<vmem>> -> memref<1x16x768xf32, #tpu.memory_space<vmem>>
    %dma_wait3A_253 = tpu.memref_squeeze %dma_wait3A_252 : memref<1x16x768xf32, #tpu.memory_space<vmem>> -> memref<16x768xf32, #tpu.memory_space<vmem>>
    %dma_wait3A_254 = arith.constant 0 : i32
    %dma_wait3A_255 = tpu.memref_slice %arg5[%dma_wait3A_248, %add3A_246, %dma_wait3A_254] : memref<4x2048x768xf32, #tpu.memory_space<hbm>> -> memref<1x16x768xf32, #tpu.memory_space<hbm>>
    %dma_wait3A_256 = tpu.memref_squeeze %dma_wait3A_255 : memref<1x16x768xf32, #tpu.memory_space<hbm>> -> memref<16x768xf32, #tpu.memory_space<hbm>>
    %dma_wait3A_257 = tpu.memref_slice %arg12[%dma_wait3A_249] : memref<6x!tpu.dma_semaphore, #tpu.memory_space<semaphore_mem>> -> memref<1x!tpu.dma_semaphore, #tpu.memory_space<semaphore_mem>>
    %dma_wait3A_258 = tpu.memref_squeeze %dma_wait3A_257 : memref<1x!tpu.dma_semaphore, #tpu.memory_space<semaphore_mem>> -> memref<!tpu.dma_semaphore, #tpu.memory_space<semaphore_mem>>
    %dma_wait3A_259 = arith.constant 0 : i32
    %dma_wait3A_260 = tpu.memref_slice %arg5[%dma_wait3A_248, %add3A_246, %dma_wait3A_259] : memref<4x2048x768xf32, #tpu.memory_space<hbm>> -> memref<1x16x768xf32, #tpu.memory_space<hbm>>
    %dma_wait3A_261 = tpu.memref_squeeze %dma_wait3A_260 : memref<1x16x768xf32, #tpu.memory_space<hbm>> -> memref<16x768xf32, #tpu.memory_space<hbm>>
    %dma_wait3A_262 = arith.constant 0 : i32
    %dma_wait3A_263 = arith.constant 0 : i32
    %dma_wait3A_264 = tpu.memref_slice %arg8[%dma_wait3A_247, %dma_wait3A_262, %dma_wait3A_263] : memref<6x16x768xf32, #tpu.memory_space<vmem>> -> memref<1x16x768xf32, #tpu.memory_space<vmem>>
    %dma_wait3A_265 = tpu.memref_squeeze %dma_wait3A_264 : memref<1x16x768xf32, #tpu.memory_space<vmem>> -> memref<16x768xf32, #tpu.memory_space<vmem>>
    tpu.wait_dma2 semaphore(%dma_wait3A_258 : memref<!tpu.dma_semaphore, #tpu.memory_space<semaphore_mem>>) src(%dma_wait3A_265 : memref<16x768xf32, #tpu.memory_space<vmem>>) dst(%dma_wait3A_261 : memref<16x768xf32, #tpu.memory_space<hbm>>)
    %add3A_266 = arith.constant 48 : i32
    %add3A_267 = arith.addi %mul3A_2, %add3A_266 : i32
    %dma_wait3A_268 = arith.constant 5 : i32
    %dma_wait3A_269 = arith.constant 2 : i32
    %dma_wait3A_270 = arith.constant 5 : i32
    %dma_wait3A_271 = arith.constant 0 : i32
    %dma_wait3A_272 = arith.constant 0 : i32
    %dma_wait3A_273 = tpu.memref_slice %arg8[%dma_wait3A_268, %dma_wait3A_271, %dma_wait3A_272] : memref<6x16x768xf32, #tpu.memory_space<vmem>> -> memref<1x16x768xf32, #tpu.memory_space<vmem>>
    %dma_wait3A_274 = tpu.memref_squeeze %dma_wait3A_273 : memref<1x16x768xf32, #tpu.memory_space<vmem>> -> memref<16x768xf32, #tpu.memory_space<vmem>>
    %dma_wait3A_275 = arith.constant 0 : i32
    %dma_wait3A_276 = tpu.memref_slice %arg5[%dma_wait3A_269, %add3A_267, %dma_wait3A_275] : memref<4x2048x768xf32, #tpu.memory_space<hbm>> -> memref<1x16x768xf32, #tpu.memory_space<hbm>>
    %dma_wait3A_277 = tpu.memref_squeeze %dma_wait3A_276 : memref<1x16x768xf32, #tpu.memory_space<hbm>> -> memref<16x768xf32, #tpu.memory_space<hbm>>
    %dma_wait3A_278 = tpu.memref_slice %arg12[%dma_wait3A_270] : memref<6x!tpu.dma_semaphore, #tpu.memory_space<semaphore_mem>> -> memref<1x!tpu.dma_semaphore, #tpu.memory_space<semaphore_mem>>
    %dma_wait3A_279 = tpu.memref_squeeze %dma_wait3A_278 : memref<1x!tpu.dma_semaphore, #tpu.memory_space<semaphore_mem>> -> memref<!tpu.dma_semaphore, #tpu.memory_space<semaphore_mem>>
    %dma_wait3A_280 = arith.constant 0 : i32
    %dma_wait3A_281 = tpu.memref_slice %arg5[%dma_wait3A_269, %add3A_267, %dma_wait3A_280] : memref<4x2048x768xf32, #tpu.memory_space<hbm>> -> memref<1x16x768xf32, #tpu.memory_space<hbm>>
    %dma_wait3A_282 = tpu.memref_squeeze %dma_wait3A_281 : memref<1x16x768xf32, #tpu.memory_space<hbm>> -> memref<16x768xf32, #tpu.memory_space<hbm>>
    %dma_wait3A_283 = arith.constant 0 : i32
    %dma_wait3A_284 = arith.constant 0 : i32
    %dma_wait3A_285 = tpu.memref_slice %arg8[%dma_wait3A_268, %dma_wait3A_283, %dma_wait3A_284] : memref<6x16x768xf32, #tpu.memory_space<vmem>> -> memref<1x16x768xf32, #tpu.memory_space<vmem>>
    %dma_wait3A_286 = tpu.memref_squeeze %dma_wait3A_285 : memref<1x16x768xf32, #tpu.memory_space<vmem>> -> memref<16x768xf32, #tpu.memory_space<vmem>>
    tpu.wait_dma2 semaphore(%dma_wait3A_279 : memref<!tpu.dma_semaphore, #tpu.memory_space<semaphore_mem>>) src(%dma_wait3A_286 : memref<16x768xf32, #tpu.memory_space<vmem>>) dst(%dma_wait3A_282 : memref<16x768xf32, #tpu.memory_space<hbm>>)
    %add3A_287 = arith.constant 0 : i32
    %add3A_288 = arith.addi %mul3A_2, %add3A_287 : i32
    %dma_wait3A_289 = arith.constant 0 : i32
    %dma_wait3A_290 = arith.constant 3 : i32
    %dma_wait3A_291 = arith.constant 0 : i32
    %dma_wait3A_292 = arith.constant 0 : i32
    %dma_wait3A_293 = arith.constant 0 : i32
    %dma_wait3A_294 = tpu.memref_slice %arg8[%dma_wait3A_289, %dma_wait3A_292, %dma_wait3A_293] : memref<6x16x768xf32, #tpu.memory_space<vmem>> -> memref<1x16x768xf32, #tpu.memory_space<vmem>>
    %dma_wait3A_295 = tpu.memref_squeeze %dma_wait3A_294 : memref<1x16x768xf32, #tpu.memory_space<vmem>> -> memref<16x768xf32, #tpu.memory_space<vmem>>
    %dma_wait3A_296 = arith.constant 0 : i32
    %dma_wait3A_297 = tpu.memref_slice %arg5[%dma_wait3A_290, %add3A_288, %dma_wait3A_296] : memref<4x2048x768xf32, #tpu.memory_space<hbm>> -> memref<1x16x768xf32, #tpu.memory_space<hbm>>
    %dma_wait3A_298 = tpu.memref_squeeze %dma_wait3A_297 : memref<1x16x768xf32, #tpu.memory_space<hbm>> -> memref<16x768xf32, #tpu.memory_space<hbm>>
    %dma_wait3A_299 = tpu.memref_slice %arg12[%dma_wait3A_291] : memref<6x!tpu.dma_semaphore, #tpu.memory_space<semaphore_mem>> -> memref<1x!tpu.dma_semaphore, #tpu.memory_space<semaphore_mem>>
    %dma_wait3A_300 = tpu.memref_squeeze %dma_wait3A_299 : memref<1x!tpu.dma_semaphore, #tpu.memory_space<semaphore_mem>> -> memref<!tpu.dma_semaphore, #tpu.memory_space<semaphore_mem>>
    %dma_wait3A_301 = arith.constant 0 : i32
    %dma_wait3A_302 = tpu.memref_slice %arg5[%dma_wait3A_290, %add3A_288, %dma_wait3A_301] : memref<4x2048x768xf32, #tpu.memory_space<hbm>> -> memref<1x16x768xf32, #tpu.memory_space<hbm>>
    %dma_wait3A_303 = tpu.memref_squeeze %dma_wait3A_302 : memref<1x16x768xf32, #tpu.memory_space<hbm>> -> memref<16x768xf32, #tpu.memory_space<hbm>>
    %dma_wait3A_304 = arith.constant 0 : i32
    %dma_wait3A_305 = arith.constant 0 : i32
    %dma_wait3A_306 = tpu.memref_slice %arg8[%dma_wait3A_289, %dma_wait3A_304, %dma_wait3A_305] : memref<6x16x768xf32, #tpu.memory_space<vmem>> -> memref<1x16x768xf32, #tpu.memory_space<vmem>>
    %dma_wait3A_307 = tpu.memref_squeeze %dma_wait3A_306 : memref<1x16x768xf32, #tpu.memory_space<vmem>> -> memref<16x768xf32, #tpu.memory_space<vmem>>
    tpu.wait_dma2 semaphore(%dma_wait3A_300 : memref<!tpu.dma_semaphore, #tpu.memory_space<semaphore_mem>>) src(%dma_wait3A_307 : memref<16x768xf32, #tpu.memory_space<vmem>>) dst(%dma_wait3A_303 : memref<16x768xf32, #tpu.memory_space<hbm>>)
    %add3A_308 = arith.constant 16 : i32
    %add3A_309 = arith.addi %mul3A_2, %add3A_308 : i32
    %dma_wait3A_310 = arith.constant 1 : i32
    %dma_wait3A_311 = arith.constant 3 : i32
    %dma_wait3A_312 = arith.constant 1 : i32
    %dma_wait3A_313 = arith.constant 0 : i32
    %dma_wait3A_314 = arith.constant 0 : i32
    %dma_wait3A_315 = tpu.memref_slice %arg8[%dma_wait3A_310, %dma_wait3A_313, %dma_wait3A_314] : memref<6x16x768xf32, #tpu.memory_space<vmem>> -> memref<1x16x768xf32, #tpu.memory_space<vmem>>
    %dma_wait3A_316 = tpu.memref_squeeze %dma_wait3A_315 : memref<1x16x768xf32, #tpu.memory_space<vmem>> -> memref<16x768xf32, #tpu.memory_space<vmem>>
    %dma_wait3A_317 = arith.constant 0 : i32
    %dma_wait3A_318 = tpu.memref_slice %arg5[%dma_wait3A_311, %add3A_309, %dma_wait3A_317] : memref<4x2048x768xf32, #tpu.memory_space<hbm>> -> memref<1x16x768xf32, #tpu.memory_space<hbm>>
    %dma_wait3A_319 = tpu.memref_squeeze %dma_wait3A_318 : memref<1x16x768xf32, #tpu.memory_space<hbm>> -> memref<16x768xf32, #tpu.memory_space<hbm>>
    %dma_wait3A_320 = tpu.memref_slice %arg12[%dma_wait3A_312] : memref<6x!tpu.dma_semaphore, #tpu.memory_space<semaphore_mem>> -> memref<1x!tpu.dma_semaphore, #tpu.memory_space<semaphore_mem>>
    %dma_wait3A_321 = tpu.memref_squeeze %dma_wait3A_320 : memref<1x!tpu.dma_semaphore, #tpu.memory_space<semaphore_mem>> -> memref<!tpu.dma_semaphore, #tpu.memory_space<semaphore_mem>>
    %dma_wait3A_322 = arith.constant 0 : i32
    %dma_wait3A_323 = tpu.memref_slice %arg5[%dma_wait3A_311, %add3A_309, %dma_wait3A_322] : memref<4x2048x768xf32, #tpu.memory_space<hbm>> -> memref<1x16x768xf32, #tpu.memory_space<hbm>>
    %dma_wait3A_324 = tpu.memref_squeeze %dma_wait3A_323 : memref<1x16x768xf32, #tpu.memory_space<hbm>> -> memref<16x768xf32, #tpu.memory_space<hbm>>
    %dma_wait3A_325 = arith.constant 0 : i32
    %dma_wait3A_326 = arith.constant 0 : i32
    %dma_wait3A_327 = tpu.memref_slice %arg8[%dma_wait3A_310, %dma_wait3A_325, %dma_wait3A_326] : memref<6x16x768xf32, #tpu.memory_space<vmem>> -> memref<1x16x768xf32, #tpu.memory_space<vmem>>
    %dma_wait3A_328 = tpu.memref_squeeze %dma_wait3A_327 : memref<1x16x768xf32, #tpu.memory_space<vmem>> -> memref<16x768xf32, #tpu.memory_space<vmem>>
    tpu.wait_dma2 semaphore(%dma_wait3A_321 : memref<!tpu.dma_semaphore, #tpu.memory_space<semaphore_mem>>) src(%dma_wait3A_328 : memref<16x768xf32, #tpu.memory_space<vmem>>) dst(%dma_wait3A_324 : memref<16x768xf32, #tpu.memory_space<hbm>>)
    %add3A_329 = arith.constant 32 : i32
    %add3A_330 = arith.addi %mul3A_2, %add3A_329 : i32
    %dma_wait3A_331 = arith.constant 2 : i32
    %dma_wait3A_332 = arith.constant 3 : i32
    %dma_wait3A_333 = arith.constant 2 : i32
    %dma_wait3A_334 = arith.constant 0 : i32
    %dma_wait3A_335 = arith.constant 0 : i32
    %dma_wait3A_336 = tpu.memref_slice %arg8[%dma_wait3A_331, %dma_wait3A_334, %dma_wait3A_335] : memref<6x16x768xf32, #tpu.memory_space<vmem>> -> memref<1x16x768xf32, #tpu.memory_space<vmem>>
    %dma_wait3A_337 = tpu.memref_squeeze %dma_wait3A_336 : memref<1x16x768xf32, #tpu.memory_space<vmem>> -> memref<16x768xf32, #tpu.memory_space<vmem>>
    %dma_wait3A_338 = arith.constant 0 : i32
    %dma_wait3A_339 = tpu.memref_slice %arg5[%dma_wait3A_332, %add3A_330, %dma_wait3A_338] : memref<4x2048x768xf32, #tpu.memory_space<hbm>> -> memref<1x16x768xf32, #tpu.memory_space<hbm>>
    %dma_wait3A_340 = tpu.memref_squeeze %dma_wait3A_339 : memref<1x16x768xf32, #tpu.memory_space<hbm>> -> memref<16x768xf32, #tpu.memory_space<hbm>>
    %dma_wait3A_341 = tpu.memref_slice %arg12[%dma_wait3A_333] : memref<6x!tpu.dma_semaphore, #tpu.memory_space<semaphore_mem>> -> memref<1x!tpu.dma_semaphore, #tpu.memory_space<semaphore_mem>>
    %dma_wait3A_342 = tpu.memref_squeeze %dma_wait3A_341 : memref<1x!tpu.dma_semaphore, #tpu.memory_space<semaphore_mem>> -> memref<!tpu.dma_semaphore, #tpu.memory_space<semaphore_mem>>
    %dma_wait3A_343 = arith.constant 0 : i32
    %dma_wait3A_344 = tpu.memref_slice %arg5[%dma_wait3A_332, %add3A_330, %dma_wait3A_343] : memref<4x2048x768xf32, #tpu.memory_space<hbm>> -> memref<1x16x768xf32, #tpu.memory_space<hbm>>
    %dma_wait3A_345 = tpu.memref_squeeze %dma_wait3A_344 : memref<1x16x768xf32, #tpu.memory_space<hbm>> -> memref<16x768xf32, #tpu.memory_space<hbm>>
    %dma_wait3A_346 = arith.constant 0 : i32
    %dma_wait3A_347 = arith.constant 0 : i32
    %dma_wait3A_348 = tpu.memref_slice %arg8[%dma_wait3A_331, %dma_wait3A_346, %dma_wait3A_347] : memref<6x16x768xf32, #tpu.memory_space<vmem>> -> memref<1x16x768xf32, #tpu.memory_space<vmem>>
    %dma_wait3A_349 = tpu.memref_squeeze %dma_wait3A_348 : memref<1x16x768xf32, #tpu.memory_space<vmem>> -> memref<16x768xf32, #tpu.memory_space<vmem>>
    tpu.wait_dma2 semaphore(%dma_wait3A_342 : memref<!tpu.dma_semaphore, #tpu.memory_space<semaphore_mem>>) src(%dma_wait3A_349 : memref<16x768xf32, #tpu.memory_space<vmem>>) dst(%dma_wait3A_345 : memref<16x768xf32, #tpu.memory_space<hbm>>)
    %add3A_350 = arith.constant 48 : i32
    %add3A_351 = arith.addi %mul3A_2, %add3A_350 : i32
    %dma_wait3A_352 = arith.constant 3 : i32
    %dma_wait3A_353 = arith.constant 3 : i32
    %dma_wait3A_354 = arith.constant 3 : i32
    %dma_wait3A_355 = arith.constant 0 : i32
    %dma_wait3A_356 = arith.constant 0 : i32
    %dma_wait3A_357 = tpu.memref_slice %arg8[%dma_wait3A_352, %dma_wait3A_355, %dma_wait3A_356] : memref<6x16x768xf32, #tpu.memory_space<vmem>> -> memref<1x16x768xf32, #tpu.memory_space<vmem>>
    %dma_wait3A_358 = tpu.memref_squeeze %dma_wait3A_357 : memref<1x16x768xf32, #tpu.memory_space<vmem>> -> memref<16x768xf32, #tpu.memory_space<vmem>>
    %dma_wait3A_359 = arith.constant 0 : i32
    %dma_wait3A_360 = tpu.memref_slice %arg5[%dma_wait3A_353, %add3A_351, %dma_wait3A_359] : memref<4x2048x768xf32, #tpu.memory_space<hbm>> -> memref<1x16x768xf32, #tpu.memory_space<hbm>>
    %dma_wait3A_361 = tpu.memref_squeeze %dma_wait3A_360 : memref<1x16x768xf32, #tpu.memory_space<hbm>> -> memref<16x768xf32, #tpu.memory_space<hbm>>
    %dma_wait3A_362 = tpu.memref_slice %arg12[%dma_wait3A_354] : memref<6x!tpu.dma_semaphore, #tpu.memory_space<semaphore_mem>> -> memref<1x!tpu.dma_semaphore, #tpu.memory_space<semaphore_mem>>
    %dma_wait3A_363 = tpu.memref_squeeze %dma_wait3A_362 : memref<1x!tpu.dma_semaphore, #tpu.memory_space<semaphore_mem>> -> memref<!tpu.dma_semaphore, #tpu.memory_space<semaphore_mem>>
    %dma_wait3A_364 = arith.constant 0 : i32
    %dma_wait3A_365 = tpu.memref_slice %arg5[%dma_wait3A_353, %add3A_351, %dma_wait3A_364] : memref<4x2048x768xf32, #tpu.memory_space<hbm>> -> memref<1x16x768xf32, #tpu.memory_space<hbm>>
    %dma_wait3A_366 = tpu.memref_squeeze %dma_wait3A_365 : memref<1x16x768xf32, #tpu.memory_space<hbm>> -> memref<16x768xf32, #tpu.memory_space<hbm>>
    %dma_wait3A_367 = arith.constant 0 : i32
    %dma_wait3A_368 = arith.constant 0 : i32
    %dma_wait3A_369 = tpu.memref_slice %arg8[%dma_wait3A_352, %dma_wait3A_367, %dma_wait3A_368] : memref<6x16x768xf32, #tpu.memory_space<vmem>> -> memref<1x16x768xf32, #tpu.memory_space<vmem>>
    %dma_wait3A_370 = tpu.memref_squeeze %dma_wait3A_369 : memref<1x16x768xf32, #tpu.memory_space<vmem>> -> memref<16x768xf32, #tpu.memory_space<vmem>>
    tpu.wait_dma2 semaphore(%dma_wait3A_363 : memref<!tpu.dma_semaphore, #tpu.memory_space<semaphore_mem>>) src(%dma_wait3A_370 : memref<16x768xf32, #tpu.memory_space<vmem>>) dst(%dma_wait3A_366 : memref<16x768xf32, #tpu.memory_space<hbm>>)
    return
  }
}

</mosaic_0001>

<sc_bundles>
// kernel: kernel.3.cloned.1.call-start
scs
__scs_entry_jumppad:
0x0: {  	(pc) =	sbr.rel $0x88, $3  }
0x1: {  	(tag) =	ssettag $0x0;
	lr =	simm.s32 $0x1  }
0x2: {  	[smem:$0x3F9E] =	sst lr;
	_ =	strace $0xD0000000  }
0x3: {  	_ = 	snop  }
0x4: {  	_ = 	snop  }
0x5: {  	_ = 	snop  }
0x6: {  	_ = 	snop  }
0x7: {  	_ = 	snop  }
__scs_overlays_trampoline_lowered:
0x8: {  	[smem:$0x3FAD] =	sst s0  }
0x9: {  	[smem:$0x3FAE] =	sst s1  }
0xa: {  	[smem:$0x3FAF] =	sst s2  }
0xb: {  	[smem:$0x3FB0] =	sst s3  }
0xc: {  	[smem:$0x3FB1] =	sst s4  }
0xd: {  	[smem:$0x3FB2] =	sst s5  }
0xe: {  	[smem:$0x3FB3] =	sst s6  }
0xf: {  	[smem:$0x3FB4] =	sst s7  }
0x10: {  	[smem:$0x3FB5] =	sst s8  }
0x11: {  	[smem:$0x3FB6] =	sst s9;
	s0 =	simm.s32 @!p0 $0x0  }
0x12: {  	s1 =	sld [smem:$0x3F9C];
	s0 =	simm.s32 @p0 $0x1  }
0x13: {  	[smem:$0x3FB7] =	sst s0;
	s0 =	simm.s32 @!p1 $0x0  }
0x14: {  	s2 =	sld [smem:$0x3F9B];
	s0 =	simm.s32 @p1 $0x1  }
0x15: {  	[smem:$0x3FB8] =	sst s0;
	s0 =	simm.s32 @!p2 $0x0  }
0x16: {  	s3 =	sld [smem:$0x3FDB];
	s0 =	simm.s32 @p2 $0x1  }
0x17: {  	s4 =	simm.s32 $0x1BF5;
	[smem:$0x3FBA] =	sst s0  }
0x18: {  	s0 =	sld [smem:$0x3F9D];
	_ =	swait.ge [sflag:s4], $0x0  }
0x19: {  	s7 =	sld [smem:$0x3F9E]  }
0x1a: {  	s8 =	sadd.s32 $0xFFFFE003, lr  }
0x1b: {  	s9 =	sadd.s32 $0xFFFFFEF7, lr;
	s5 =	simm.s32 $0xFFFFFFFF;
	p2 =	slt.u32 s8, $0xFFFFF086  }
0x1c: {  	p1 =	slt.u32 s9, $0xF7A;
	s5 =	simm.s32 @!p2 $0x0  }
0x1d: {  	s5 =	simm.s32 @p1 $0x1;
	p0 =	seq.s32 s7, s2  }
0x1e: {  	s7 =	smul.u32 @!p0 $0xF7A, s2;
	p2 =	seq.s32 @!p0 s5, $0x0  }
0x1f: {  	s9 =	smul.u32 $0xF7A, s1;
	s8 =	simm.s32 @!p0 $0x1BF5;
	p2 =	por !p2, p0  }
0x20: {  	[sflag:s8] =	ssyncset.s32 @!p0 $0xFFFFF086;
	s6 =	sadd.s32 @!p0 s3, s7;
	s7 =	simm.s32 @!p0 $0x108  }
0x21: {  	s3 =	sadd.s32 s3, s9;
	s6 =	sadd.s32 @!p0 $0x88, s6;
	s7 =	simm.s32 @p2 $0x1082  }
0x22: {  	[simem:s7], [sflag:s8] =	dma.local @!p0 [hbm:s6], $0xF7A  }
0x23: {  	s9 =	sor.u32 $0xD0000000, s2;
	s6 =	simm.s32 $0x108;
	_ =	swait.ge @!p0 [sflag:s8], $0x0  }
0x24: {  	s3 =	sadd.s32 $0x88, s3;
	s6 =	simm.s32 @!p1 $0x1082;
	[sflag:s4] =	ssyncset.s32 $0xFFFFF086  }
0x25: {  	[simem:s6], [sflag:s4] =	dma.local [hbm:s3], $0xF7A  }
0x26: {  	[smem:$0x3F9E] =	sst s1;
	(tag) =	ssettag s2;
	_ =	strace s9  }
0x27: {  	s1 =	sld [smem:$0x3FAE]  }
0x28: {  	s2 =	sld [smem:$0x3FAF]  }
0x29: {  	s4 =	sld [smem:$0x3FB1]  }
0x2a: {  	p0 =	seq.s32 s5, $0x0;
	s5 =	sld [smem:$0x3FB2]  }
0x2b: {  	s6 =	sld [smem:$0x3FB3]  }
0x2c: {  	s7 =	sld [smem:$0x3FB4]  }
0x2d: {  	s3 =	simm.s32 $0x108;
	s8 =	sld [smem:$0x3FB5]  }
0x2e: {  	s3 =	simm.s32 @!p0 $0x1082;
	s9 =	sld [smem:$0x3FB6]  }
0x2f: {  	lr =	sadd.s32 s0, s3;
	s0 =	sld [smem:$0x3FAD]  }
0x30: {  	s3 =	sld [smem:$0x3FB0]  }
0x31: {  	[smem:$0x3FB9] =	sst s10  }
0x32: {  	s10 =	sld [smem:$0x3FB7];
	_ =	sdelay $0x3  }
0x33: {  	p0 =	seq.s32 s10, $0x1;
	s10 =	sld [smem:$0x3FB9];
	_ =	sdelay $0x3  }
0x34: {  	[smem:$0x3FB9] =	sst s10  }
0x35: {  	s10 =	sld [smem:$0x3FB8];
	_ =	sdelay $0x3  }
0x36: {  	p1 =	seq.s32 s10, $0x1;
	s10 =	sld [smem:$0x3FB9];
	_ =	sdelay $0x3  }
0x37: {  	[smem:$0x3FB9] =	sst s10  }
0x38: {  	s10 =	sld [smem:$0x3FBA]  }
0x39: {  	_ = 	snop;
	(pc) =	sbr.ind lr, $3  }
0x3a: {  	_ = 	snop  }
0x3b: {  	_ = 	snop  }
0x3c: {  	p2 =	seq.s32 s10, $0x1;
	s10 =	sld [smem:$0x3FB9]  }
0x3d: {  	_ =	shalt  }
0x3e: {  	_ =	shalt  }
0x3f: {  	_ =	shalt  }
0x40: {  	_ =	shalt  }
0x41: {  	_ =	shalt  }
0x42: {  	_ =	shalt  }
0x43: {  	_ =	shalt  }
0x44: {  	_ =	shalt  }
0x45: {  	_ =	shalt  }
0x46: {  	_ =	shalt  }
0x47: {  	_ =	shalt  }
0x48: {  	_ =	shalt  }
0x49: {  	_ =	shalt  }
0x4a: {  	_ =	shalt  }
0x4b: {  	_ =	shalt  }
0x4c: {  	_ =	shalt  }
0x4d: {  	_ =	shalt  }
0x4e: {  	_ =	shalt  }
0x4f: {  	_ =	shalt  }
0x50: {  	_ =	shalt  }
0x51: {  	_ =	shalt  }
0x52: {  	_ =	shalt  }
0x53: {  	_ =	shalt  }
0x54: {  	_ =	shalt  }
0x55: {  	_ =	shalt  }
0x56: {  	_ =	shalt  }
0x57: {  	_ =	shalt  }
0x58: {  	_ =	shalt  }
0x59: {  	_ =	shalt  }
0x5a: {  	_ =	shalt  }
0x5b: {  	_ =	shalt  }
0x5c: {  	_ =	shalt  }
0x5d: {  	_ =	shalt  }
0x5e: {  	_ =	shalt  }
0x5f: {  	_ =	shalt  }
0x60: {  	_ =	shalt  }
0x61: {  	_ =	shalt  }
0x62: {  	_ =	shalt  }
0x63: {  	_ =	shalt  }
0x64: {  	_ =	shalt  }
0x65: {  	_ =	shalt  }
0x66: {  	_ =	shalt  }
0x67: {  	_ =	shalt  }
0x68: {  	_ =	shalt  }
0x69: {  	_ =	shalt  }
0x6a: {  	_ =	shalt  }
0x6b: {  	_ =	shalt  }
0x6c: {  	_ =	shalt  }
0x6d: {  	_ =	shalt  }
0x6e: {  	_ =	shalt  }
0x6f: {  	_ =	shalt  }
0x70: {  	_ =	shalt  }
0x71: {  	_ =	shalt  }
0x72: {  	_ =	shalt  }
0x73: {  	_ =	shalt  }
0x74: {  	_ =	shalt  }
0x75: {  	_ =	shalt  }
0x76: {  	_ =	shalt  }
0x77: {  	_ =	shalt  }
0x78: {  	_ =	shalt  }
0x79: {  	_ =	shalt  }
0x7a: {  	_ =	shalt  }
0x7b: {  	_ =	shalt  }
0x7c: {  	_ =	shalt  }
0x7d: {  	_ =	shalt  }
0x7e: {  	_ =	shalt  }
0x7f: {  	_ =	shalt  }
0x80: {  	_ =	shalt  }
0x81: {  	_ =	shalt  }
0x82: {  	_ =	shalt  }
0x83: {  	_ =	shalt  }
0x84: {  	_ =	shalt  }
0x85: {  	_ =	shalt  }
0x86: {  	_ =	shalt  }
0x87: {  	_ =	shalt  }
.Lfunc_end0:
.L_simem_size_0:
called_computation_lowered:
.L_overlay_start_0:
0x88: {  	s2 =	sld [smem:$0x3FD9]  }
0x89: {  	s3 =	sld [smem:$0x3FFE];
	_ =	sdelay $0x1  }
0x8a: {  	s1 =	srdreg.scid  }
0x8b: {  	s0 =	sand.u32 $0x1, s1  }
0x8c: {  	s18 =	sshll.u32 s0, $0xA;
	s2 =	sadd.s32 s3, s2  }
0x8d: {  	s2 =	sadd.s32 s2, s18  }
0x8e: {  	[smem:$0x3FC5] =	sst s2  }
0x8f: {  	_ = 	snop  }
0x90: {  	s2 =	sld [smem:$0x3FC9]  }
0x91: {  	s19 =	sld [smem:$0x3FC8]  }
0x92: {  	s4 =	sld [smem:$0x3FC7]  }
0x93: {  	s5 =	sld [smem:$0x3FD0];
	(tm) =	ssettm $0x1  }
0x94: {  	s6 =	sld [smem:$0x3FFB];
	_ =	sdelay $0x3  }
0x95: {  	_ =	strace s6  }
0x96: {  	s6 =	sld [smem:$0x3FFC];
	_ =	sdelay $0x3  }
0x97: {  	_ =	strace s6  }
0x98: {  	s6 =	sld [smem:$0x3FFD];
	_ =	sdelay $0x3  }
0x99: {  	_ =	strace s6  }
0x9a: {  	_ =	strace $0x8FFFFFFF  }
0x9b: {  	s20 =	sld [smem:$0x3FDB];
	_ =	sdelay $0x1  }
0x9c: {  	s7 =	simm.s32 $_scs_section_size  }
0x9d: {  	s8 =	simm.s32 $_size__tile_overlayer_lowered;
	s9 =	simm.s32 $_tile_overlayer_lowered  }
0x9e: {  	s23 =	simm.s32 $0x1BFF;
	s22 =	sshll.u32 s9, $0x1;
	s6 =	sadd.s32 s7, s20  }
0x9f: {  	s10 =	simm.s32 $0x0;
	s21 =	sshll.u32 s8, $0x1;
	s8 =	sadd.s32 s22, s6  }
0xa0: {  	[timem:s10], [sflag:s23] =	dma.local [hbm:s8], s21  }
0xa1: {  	_ =	swait.ge [sflag:s23], s21  }
0xa2: {  	s7 =	ssub.s32 $0x0, s21;
	[sflag:s23] =	ssyncset.done $0x0  }
0xa3: {  	[sflag:s23] =	ssyncadd.s32 s7;
	_ =	sdelay $0x1  }
0xa4: {  	s24 =	simm.s32 $0x1B8B  }
0xa5: {  	_ =	swait.ge [sflag:s24], $0x1  }
0xa6: {  	[sflag:s24] =	ssyncset.done $0x0  }
0xa7: {  	s25 =	simm.s32 $0x1B8E;
	[sflag:s24] =	ssyncadd.s32 $0xFFFFFFFF  }
0xa8: {  	s26 =	simm.s32 $execute0_lowered;
	[smem:$0x3FD2] =	sst s25  }
0xa9: {  	s7 =	sshll.u32 s26, $0x1;
	_ =	strace $0x80000046;
	[dreg:$0x1] =	wrdreg $0xFFFFFFFF  }
0xaa: {  	s28 =	simm.s32 $_size_execute0_lowered;
	s6 =	sadd.s32 s6, s7;
	[dreg:$0x0] =	wrdreg $0x0  }
0xab: {  	s7 =	sshll.u32 s28, $0x1;
	[dreg:$0x2] =	wrdreg s6  }
0xac: {  	[dreg:$0x3] =	wrdreg s7  }
0xad: {  	[dreg:$0x4] =	wrdreg $0xC0  }
0xae: {  	_ =	task [dreg:s10], $0x5FFFF  }
0xaf: {  	[dreg:$0x1] =	wrdreg $0xFFFFFFFF  }
0xb0: {  	[dreg:$0x0] =	wrdreg $0x60  }
0xb1: {  	[dreg:$0x2] =	wrdreg s2  }
0xb2: {  	[dreg:$0x3] =	wrdreg s19  }
0xb3: {  	[dreg:$0x4] =	wrdreg s4  }
0xb4: {  	[dreg:$0x5] =	wrdreg s5  }
0xb5: {  	[dreg:$0x6] =	wrdreg $0x9  }
0xb6: {  	_ =	task.clear_ibuf [dreg:s10], $0x7FFFF;
	_ =	strace $0x90000046  }
0xb7: {  	s29 =	simm.s32 $0x9;
	_ =	strace $0x80000048  }
0xb8: {  	_ =	swait.ge [sflag:s29], $0x1  }
0xb9: {  	[sflag:s29] =	ssyncadd.s32 $0xFFFFFFFF  }
0xba: {  	_ =	strace $0x90000048  }
0xbb: {  	_ =	sfence  }
0xbc: {  	s30 =	sld [smem:$0x0];
	_ =	sdelay $0x2  }
0xbd: {  	s31 =	sshll.u32 s1, $0xD;
	s1 =	sshrl.u32 s1, $0x2  }
0xbe: {  	s3 =	sand.u32 $0x4000, s31;
	s1 =	sadd.s32 s1, s30  }
0xbf: {  	s0 =	sor.u32 s3, s0;
	s1 =	sshll.u32 s1, $0x11  }
0xc0: {  	s0 =	sor.u32 s1, s0  }
0xc1: {  	s0 =	sadd.s32 $0x8F2B, s0  }
0xc2: {  	[sflag:s0] =	ssyncadd.remote.s32 $0x1  }
0xc3: {  	_ =	sfence.sel $0xFFFF  }
0xc4: {  	[dreg:$0x0] =	wrdreg $0xFFFFFFFF;
	(pc) =	sbr.abs _section_cstart, $3  }
0xc5: {  	[dreg:$0x1] =	wrdreg $0xFFFFFFFF  }
0xc6: {  	_ =	task.clear_ibuf [dreg:s10], $0x2FFFF;
	_ =	strace $0x9FFFFFFF  }
0xc7: {  	(tm) =	ssettm $0x7FFFFFFF  }
tec
execute0_lowered:
.L_overlay_start_1:
0x0: {  	(tag) =	ssettag $0x1  }
0x1: {  	s0 =	rddreg [dreg:$0x0]  }
0x2: {  	s2 =	srdreg.scid;
	s1 =	rddreg [dreg:$0x1]  }
0x3: {  	s3 =	stileid.u32;
	s6 =	rddreg [dreg:$0x2];
	s5 =	simm.s32 $0x0  }
0x4: {  	s2 =	sand.u32 $0x1, s2;
	s4 =	sshll.u32 s3, $0x7;
	s3 =	rddreg [dreg:$0x3]  }
0x5: {  	s18 =	simm.s32 $0x2;
	[smem:$0x7FF] =	sst s5;
	s7 =	sshll.u32 s2, $0x6  }
0x6: {  	s12 =	sadd.s32 $0x200, s1;
	s2 =	ssub.s32 $0x2, s2;
	s4 =	sor.u32 s7, s4  }
0x7: {  	_ =	strace $0x80000047;
	s10 =	sshrl.u32 s2, $0x1;
	s8 =	sshll.u32 s4, $0x2  }
0x8: {  	s2 =	ssub.s32 s2, s10;
	s23 =	sshrl.u32 s4, $0x3;
	s9 =	sand.u32 $0x1E00, s8  }
0x9: {  	s24 =	smul.u32 $0x1800, s23;
	s31 =	smax.u32 s2, $0x1;
	s9 =	sor.u32 s7, s9  }
0xa: {  	s7 =	sor.u32 s7, s8;
	s8 =	smul.u32 $0x300, s23;
	s9 =	sshrl.u32 s9, $0x3  }
0xb: {  	[dreg:$0xe] =	wrdreg s31;
	s23 =	simm.s32 $0xE;
	s9 =	sadd.s32 s0, s9  }
0xc: {  	s7 =	sshrl.u32 s7, $0x3;
	s28 =	sadd.s32 s6, s8;
	[dreg:$0x6] =	wrdreg s9  }
0xd: {  	s25 =	sor.u32 $0x20, s7;
	s9 =	sadd.s32 $0x10, s9;
	[dreg:$0xa] =	wrdreg s28  }
0xe: {  	s7 =	sor.u32 $0x30, s7;
	s10 =	sadd.s32 s0, s25;
	[dreg:$0x7] =	wrdreg s9  }
0xf: {  	s26 =	sshrl.u32 s24, $0x3;
	s0 =	sadd.s32 s0, s7;
	[dreg:$0x8] =	wrdreg s10  }
0x10: {  	s29 =	sadd.s32 $0x600, s28;
	[dreg:$0x9] =	wrdreg s0;
	s0 =	sadd.s32 s6, s26  }
0x11: {  	v2 =	vlaneseq.u32;
	s24 =	simm.s32 $0xF;
	[dreg:$0xb] =	wrdreg s29;
	s30 =	sadd.s32 $0xC00, s0  }
0x12: {  	vm0 =	vmmov $0xffff;
	v1 =	vshrl.u32 v2, $0x3;
	s25 =	simm.s32 $0x10;
	s0 =	sadd.s32 $0x1200, s0;
	[dreg:$0xc] =	wrdreg s30  }
0x13: {  	v0 =	vand.u32 $0x7, v2;
	v2 =	vor.u32 $0x8, v2;
	v1 =	vmul.u32 $0x8, v1;
	s10 =	sadd.s32 $0x100, s1;
	s26 =	simm.s32 $0x0;
	[dreg:$0xd] =	wrdreg s0  }
.LBB2_1:
0x14: {  	s0 =	rddreg [dreg:$0x6]  }
0x15: {  	[tilespmem:s5], [sflag:$0x1] =	stream.linear.gather [hbm4b:s0+s5], $0x40, $0x38;
	[tilespmem:$0x1E200] =	vst v63  }
0x16: {  	s20 =	rddreg [dreg:$0x7];
	s2 =	simm.s32 $0x80  }
0x17: {  	[tilespmem:s2], [sflag:$0x2] =	stream.linear.gather [hbm4b:s20+s5], $0x40, $0x38;
	[tilespmem:$0x1E200] =	vst v63  }
0x18: {  	s21 =	rddreg [dreg:$0x8];
	s22 =	simm.s32 $0x100  }
0x19: {  	[tilespmem:s22], [sflag:$0x2] =	stream.linear.gather [hbm4b:s21+s5], $0x40, $0x38;
	[tilespmem:$0x1E200] =	vst v63  }
0x1a: {  	s30 =	rddreg [dreg:$0x9];
	s31 =	simm.s32 $0x180;
	s2 =	simm.s32 $0x1  }
0x1b: {  	[tilespmem:s31], [sflag:$0x2] =	stream.linear.gather [hbm4b:s30+s5], $0x40, $0x38;
	[tilespmem:$0x1E200] =	vst v63  }
0x1c: {  	_ =	swait.ge [sflag:s2], $0x40  }
0x1d: {  	[sflag:s2] =	ssyncset.done $0x0  }
0x1e: {  	[sflag:s2] =	ssyncadd.s32 $0xFFFFFFC0  }
0x1f: {  	v3 =	vld [tilespmem:$0x0];
	_ =	sdelay $0x4  }
0x20: {  	v4 =	vshrl.u32 v3, $0x3  }
0x21: {  	v4 =	vmul.u32 $0x30, v4  }
0x22: {  	v3 =	vand.u32 $0x7, v3  }
0x23: {  	v3 =	vor.u32 v3, v4  }
0x24: {  	v4 =	vperm.xlane v3, v0;
	_ =	sdelay $0x1  }
0x25: {  	v4 =	vadd.s32 v1, v4;
	_ =	sdelay $0x3  }
0x26: {  	s6 =	simm.s32 $0xC200;
	v3 =	vperm.xlane v3, v2  }
0x27: {  	[tilespmem:s6], [sflag:$0x7] =	stream.indirect_vreg.gather [hbm4b:s1+s5], $0x80, v4, vm0, $0xb8;
	[tilespmem:$0x1E200] =	vst v63  }
0x28: {  	s7 =	simm.s32 $0xCA00;
	v3 =	vadd.s32 v1, v3  }
0x29: {  	[tilespmem:s7], [sflag:$0x7] =	stream.indirect_vreg.gather [hbm4b:s10+s5], $0x80, v4, vm0, $0xb8;
	[tilespmem:$0x1E200] =	vst v63  }
0x2a: {  	s8 =	simm.s32 $0xD200  }
0x2b: {  	[tilespmem:s8], [sflag:$0x7] =	stream.indirect_vreg.gather [hbm4b:s12+s5], $0x80, v4, vm0, $0xb8;
	[tilespmem:$0x1E200] =	vst v63  }
0x2c: {  	s9 =	simm.s32 $0xDA00  }
0x2d: {  	[tilespmem:s9], [sflag:$0x7] =	stream.indirect_vreg.gather [hbm4b:s1+s5], $0x80, v3, vm0, $0xb8;
	[tilespmem:$0x1E200] =	vst v63  }
0x2e: {  	s11 =	simm.s32 $0xE200  }
0x2f: {  	[tilespmem:s11], [sflag:$0x7] =	stream.indirect_vreg.gather [hbm4b:s10+s5], $0x80, v3, vm0, $0xb8;
	[tilespmem:$0x1E200] =	vst v63  }
0x30: {  	s13 =	simm.s32 $0xEA00  }
0x31: {  	[tilespmem:s13], [sflag:$0x7] =	stream.indirect_vreg.gather [hbm4b:s12+s5], $0x80, v3, vm0, $0xb8;
	[tilespmem:$0x1E200] =	vst v63  }
0x32: {  	s15 =	simm.s32 $0x200;
	s14 =	rddreg [dreg:$0xa]  }
0x33: {  	[tilespmem:s15], [sflag:$0x3] =	stream.linear.gather [hbm4b:s14+s5], $0x3000, $0x38;
	[tilespmem:$0x1E200] =	vst v63  }
0x34: {  	v3 =	vld [tilespmem:$0x10];
	_ =	sdelay $0x4  }
0x35: {  	v61 =	vshrl.u32 v3, $0x3  }
0x36: {  	v4 =	vmul.u32 $0x30, v61  }
0x37: {  	v3 =	vand.u32 $0x7, v3  }
0x38: {  	v3 =	vor.u32 v3, v4  }
0x39: {  	v4 =	vperm.xlane v3, v0;
	_ =	sdelay $0x1  }
0x3a: {  	v4 =	vadd.s32 v1, v4;
	_ =	sdelay $0x3  }
0x3b: {  	s16 =	simm.s32 $0xF200;
	v3 =	vperm.xlane v3, v2  }
0x3c: {  	[tilespmem:s16], [sflag:$0x8] =	stream.indirect_vreg.gather [hbm4b:s1+s5], $0x80, v4, vm0, $0xb8;
	[tilespmem:$0x1E200] =	vst v63  }
0x3d: {  	s17 =	simm.s32 $0xFA00;
	v3 =	vadd.s32 v1, v3  }
0x3e: {  	[tilespmem:s17], [sflag:$0x8] =	stream.indirect_vreg.gather [hbm4b:s10+s5], $0x80, v4, vm0, $0xb8;
	[tilespmem:$0x1E200] =	vst v63  }
0x3f: {  	s19 =	simm.s32 $0x10200  }
0x40: {  	[tilespmem:s19], [sflag:$0x8] =	stream.indirect_vreg.gather [hbm4b:s12+s5], $0x80, v4, vm0, $0xb8;
	[tilespmem:$0x1E200] =	vst v63  }
0x41: {  	s20 =	simm.s32 $0x10A00  }
0x42: {  	[tilespmem:s20], [sflag:$0x8] =	stream.indirect_vreg.gather [hbm4b:s1+s5], $0x80, v3, vm0, $0xb8;
	[tilespmem:$0x1E200] =	vst v63  }
0x43: {  	s21 =	simm.s32 $0x11200  }
0x44: {  	[tilespmem:s21], [sflag:$0x8] =	stream.indirect_vreg.gather [hbm4b:s10+s5], $0x80, v3, vm0, $0xb8;
	[tilespmem:$0x1E200] =	vst v63  }
0x45: {  	s22 =	simm.s32 $0x11A00  }
0x46: {  	[tilespmem:s22], [sflag:$0x8] =	stream.indirect_vreg.gather [hbm4b:s12+s5], $0x80, v3, vm0, $0xb8;
	[tilespmem:$0x1E200] =	vst v63  }
0x47: {  	s31 =	simm.s32 $0x3200;
	s30 =	rddreg [dreg:$0xb]  }
0x48: {  	[tilespmem:s31], [sflag:$0x4] =	stream.linear.gather [hbm4b:s30+s5], $0x3000, $0x38;
	[tilespmem:$0x1E200] =	vst v63  }
0x49: {  	v3 =	vld [tilespmem:$0x20];
	_ =	sdelay $0x4  }
0x4a: {  	v62 =	vshrl.u32 v3, $0x3  }
0x4b: {  	v4 =	vmul.u32 $0x30, v62  }
0x4c: {  	v3 =	vand.u32 $0x7, v3  }
0x4d: {  	v3 =	vor.u32 v3, v4  }
0x4e: {  	v4 =	vperm.xlane v3, v0;
	_ =	sdelay $0x1  }
0x4f: {  	v4 =	vadd.s32 v1, v4;
	_ =	sdelay $0x3  }
0x50: {  	s6 =	simm.s32 $0x12200;
	v3 =	vperm.xlane v3, v2  }
0x51: {  	[tilespmem:s6], [sflag:$0x9] =	stream.indirect_vreg.gather [hbm4b:s1+s5], $0x80, v4, vm0, $0xb8;
	[tilespmem:$0x1E200] =	vst v63  }
0x52: {  	s7 =	simm.s32 $0x12A00;
	v3 =	vadd.s32 v1, v3  }
0x53: {  	[tilespmem:s7], [sflag:$0x9] =	stream.indirect_vreg.gather [hbm4b:s10+s5], $0x80, v4, vm0, $0xb8;
	[tilespmem:$0x1E200] =	vst v63  }
0x54: {  	s8 =	simm.s32 $0x13200  }
0x55: {  	[tilespmem:s8], [sflag:$0x9] =	stream.indirect_vreg.gather [hbm4b:s12+s5], $0x80, v4, vm0, $0xb8;
	[tilespmem:$0x1E200] =	vst v63  }
0x56: {  	s9 =	simm.s32 $0x13A00  }
0x57: {  	[tilespmem:s9], [sflag:$0x9] =	stream.indirect_vreg.gather [hbm4b:s1+s5], $0x80, v3, vm0, $0xb8;
	[tilespmem:$0x1E200] =	vst v63  }
0x58: {  	s11 =	simm.s32 $0x14200  }
0x59: {  	[tilespmem:s11], [sflag:$0x9] =	stream.indirect_vreg.gather [hbm4b:s10+s5], $0x80, v3, vm0, $0xb8;
	[tilespmem:$0x1E200] =	vst v63  }
0x5a: {  	s13 =	simm.s32 $0x14A00  }
0x5b: {  	[tilespmem:s13], [sflag:$0x9] =	stream.indirect_vreg.gather [hbm4b:s12+s5], $0x80, v3, vm0, $0xb8;
	[tilespmem:$0x1E200] =	vst v63  }
0x5c: {  	s14 =	rddreg [dreg:$0xc];
	s15 =	simm.s32 $0x6200  }
0x5d: {  	[tilespmem:s15], [sflag:$0x5] =	stream.linear.gather [hbm4b:s14+s5], $0x3000, $0x38;
	[tilespmem:$0x1E200] =	vst v63  }
0x5e: {  	v3 =	vld [tilespmem:$0x30];
	_ =	sdelay $0x4  }
0x5f: {  	v63 =	vshrl.u32 v3, $0x3  }
0x60: {  	v4 =	vmul.u32 $0x30, v63  }
0x61: {  	v3 =	vand.u32 $0x7, v3  }
0x62: {  	v3 =	vor.u32 v3, v4  }
0x63: {  	v4 =	vperm.xlane v3, v0;
	_ =	sdelay $0x1  }
0x64: {  	v4 =	vadd.s32 v1, v4;
	_ =	sdelay $0x3  }
0x65: {  	s16 =	simm.s32 $0x15200;
	v3 =	vperm.xlane v3, v2  }
0x66: {  	[tilespmem:s16], [sflag:$0xA] =	stream.indirect_vreg.gather [hbm4b:s1+s5], $0x80, v4, vm0, $0xb8;
	[tilespmem:$0x1E200] =	vst v63  }
0x67: {  	s17 =	simm.s32 $0x15A00;
	v3 =	vadd.s32 v1, v3  }
0x68: {  	[tilespmem:s17], [sflag:$0xA] =	stream.indirect_vreg.gather [hbm4b:s10+s5], $0x80, v4, vm0, $0xb8;
	[tilespmem:$0x1E200] =	vst v63  }
0x69: {  	s19 =	simm.s32 $0x16200  }
0x6a: {  	[tilespmem:s19], [sflag:$0xA] =	stream.indirect_vreg.gather [hbm4b:s12+s5], $0x80, v4, vm0, $0xb8;
	[tilespmem:$0x1E200] =	vst v63  }
0x6b: {  	s20 =	simm.s32 $0x16A00  }
0x6c: {  	[tilespmem:s20], [sflag:$0xA] =	stream.indirect_vreg.gather [hbm4b:s1+s5], $0x80, v3, vm0, $0xb8;
	[tilespmem:$0x1E200] =	vst v63  }
0x6d: {  	s21 =	simm.s32 $0x17200  }
0x6e: {  	[tilespmem:s21], [sflag:$0xA] =	stream.indirect_vreg.gather [hbm4b:s10+s5], $0x80, v3, vm0, $0xb8;
	[tilespmem:$0x1E200] =	vst v63  }
0x6f: {  	s22 =	simm.s32 $0x17A00  }
0x70: {  	[tilespmem:s22], [sflag:$0xA] =	stream.indirect_vreg.gather [hbm4b:s12+s5], $0x80, v3, vm0, $0xb8;
	[tilespmem:$0x1E200] =	vst v63  }
0x71: {  	s30 =	rddreg [dreg:$0xd];
	s31 =	simm.s32 $0x9200  }
0x72: {  	[tilespmem:s31], [sflag:$0x6] =	stream.linear.gather [hbm4b:s30+s5], $0x3000, $0x38;
	[tilespmem:$0x1E200] =	vst v63  }
0x73: {  	_ =	swait.ge [sflag:s18], $0x40  }
0x74: {  	[sflag:s18] =	ssyncset.done $0x0  }
0x75: {  	[sflag:s18] =	ssyncadd.s32 $0xFFFFFFC0  }
0x76: {  	_ =	swait.ge [sflag:s18], $0x40  }
0x77: {  	[sflag:s18] =	ssyncset.done $0x0  }
0x78: {  	[sflag:s18] =	ssyncadd.s32 $0xFFFFFFC0  }
0x79: {  	_ =	swait.ge [sflag:s18], $0x40  }
0x7a: {  	[sflag:s18] =	ssyncset.done $0x0  }
0x7b: {  	s28 =	simm.s32 $0x0;
	s29 =	simm.s32 $0x0;
	[sflag:s18] =	ssyncadd.s32 $0xFFFFFFC0  }
.LBB2_2:
0x7c: {  	s0 =	sadd.s32 $0xFFFFFFFE, s29  }
0x7d: {  	p0 =	sgt.u32 s0, $0x9  }
.Ltmp0:
0x7e: {  	_ = 	snop;
	(pc) =	sbr.rel @p0 .LBB2_4-.Ltmp0, $1  }
0x7f: {  	_ =	sdelay $0x3  }
0x80: {  	s2 =	sadd.s32 $0xFFFFFFF8, s29;
	p0 =	slt.u32 s29, $0x8  }
0x81: {  	s2 =	smov.u32 @p0 s0  }
0x82: {  	p0 =	slt.s32 s2, $0x0;
	s0 =	sadd.s32 $0x6, s2  }
.Ltmp1:
0x83: {  	s2 =	smov.u32 @p0 s0;
	(pc) =	sbr.rel .LBB2_5-.Ltmp1, $4  }
0x84: {  	s0 =	sadd.s32 $0xD, s2  }
0x85: {  	_ =	swait.ge [sflag:s0], $0x3000  }
0x86: {  	[sflag:s0] =	ssyncset.done $0x0  }
0x87: {  	[sflag:s0] =	ssyncadd.s32 $0xFFFFD000  }
.LBB2_4:
0x88: {  	p0 =	sgt.u32 s29, $0xB  }
.Ltmp2:
0x89: {  	_ = 	snop;
	(pc) =	sbr.rel @p0 .LBB2_6-.Ltmp2, $1  }
0x8a: {  	_ =	sdelay $0x3  }
.LBB2_5:
0x8b: {  	s0 =	sadd.s32 $0x4, s29  }
0x8c: {  	s2 =	sshll.u32 s29, $0x4;
	s6 =	sshll.u32 s0, $0x5  }
0x8d: {  	s2 =	sand.u32 $0x30, s2;
	s6 =	sand.u32 $0x380, s6  }
0x8e: {  	s2 =	sor.u32 s2, s6  }
0x8f: {  	v3 =	vld [tilespmem:s2+$0x0];
	_ =	sdelay $0x3  }
0x90: {  	s17 =	smul.u32 $0xAB, s0  }
0x91: {  	v4 =	vshrl.u32 v3, $0x3  }
0x92: {  	s2 =	sshrl.u32 s17, $0xA;
	v4 =	vmul.u32 $0x30, v4  }
0x93: {  	s2 =	sand.u32 $0x3F, s2;
	v3 =	vand.u32 $0x7, v3  }
0x94: {  	s2 =	smul.u32 $0x6, s2;
	v3 =	vor.u32 v3, v4  }
0x95: {  	v4 =	vperm.xlane v3, v0  }
0x96: {  	s0 =	ssub.s32 s0, s2  }
0x97: {  	s0 =	sand.u32 $0xFF, s0;
	v4 =	vadd.s32 v1, v4  }
0x98: {  	s19 =	smul.u32 $0xC000, s0;
	_ =	sdelay $0x1  }
0x99: {  	s2 =	sshrl.u32 s19, $0x2  }
0x9a: {  	s0 =	sadd.s32 $0x7, s0;
	s20 =	sadd.s32 $0xC200, s2;
	v3 =	vperm.xlane v3, v2  }
0x9b: {  	[tilespmem:s20], [sflag:s0] =	stream.indirect_vreg.gather [hbm4b:s1+s5], $0x80, v4, vm0, $0xb8;
	[tilespmem:$0x1E200] =	vst v63  }
0x9c: {  	s21 =	sadd.s32 $0xCA00, s2;
	v3 =	vadd.s32 v1, v3  }
0x9d: {  	[tilespmem:s21], [sflag:s0] =	stream.indirect_vreg.gather [hbm4b:s10+s5], $0x80, v4, vm0, $0xb8;
	[tilespmem:$0x1E200] =	vst v63  }
0x9e: {  	s22 =	sadd.s32 $0xD200, s2  }
0x9f: {  	[tilespmem:s22], [sflag:s0] =	stream.indirect_vreg.gather [hbm4b:s12+s5], $0x80, v4, vm0, $0xb8;
	[tilespmem:$0x1E200] =	vst v63  }
0xa0: {  	s30 =	sadd.s32 $0xDA00, s2  }
0xa1: {  	[tilespmem:s30], [sflag:s0] =	stream.indirect_vreg.gather [hbm4b:s1+s5], $0x80, v3, vm0, $0xb8;
	[tilespmem:$0x1E200] =	vst v63  }
0xa2: {  	s31 =	sadd.s32 $0xE200, s2  }
0xa3: {  	[tilespmem:s31], [sflag:s0] =	stream.indirect_vreg.gather [hbm4b:s10+s5], $0x80, v3, vm0, $0xb8;
	[tilespmem:$0x1E200] =	vst v63  }
0xa4: {  	s2 =	sadd.s32 $0xEA00, s2  }
0xa5: {  	[tilespmem:s2], [sflag:s0] =	stream.indirect_vreg.gather [hbm4b:s12+s5], $0x80, v3, vm0, $0xb8;
	[tilespmem:$0x1E200] =	vst v63  }
.LBB2_6:
0xa6: {  	s0 =	smul.u32 $0xAB, s29;
	_ =	sdelay $0x1  }
0xa7: {  	s0 =	sshrl.u32 s0, $0xA  }
0xa8: {  	s0 =	sand.u32 $0x3F, s0  }
0xa9: {  	s0 =	smul.u32 $0x6, s0;
	_ =	sdelay $0x1  }
0xaa: {  	s2 =	sand.u32 $0x3, s28;
	s0 =	ssub.s32 s29, s0  }
0xab: {  	s2 =	sshll.u32 s2, $0x4;
	s30 =	sand.u32 $0xFF, s0  }
0xac: {  	[dreg:$0x5] =	wrdreg s2;
	s0 =	sadd.s32 $0x7, s30  }
0xad: {  	_ =	swait.ge [sflag:s0], $0x3000  }
0xae: {  	p0 =	sgt.u32 s29, $0x3;
	[sflag:s0] =	ssyncset.done $0x0  }
0xaf: {  	[sflag:s0] =	ssyncadd.s32 $0xFFFFD000;
	s0 =	sadd.s32 @!p0 $0x3, s29  }
0xb0: {  	s22 =	sshll.u32 s29, $0x4;
	s2 =	smul.u32 $0x3000, s30;
	_ =	swait.ge @!p0 [sflag:s0], $0x3000  }
0xb1: {  	s7 =	simm.s32 $0x0;
	s17 =	simm.s32 $0x0;
	[sflag:s0] =	ssyncset.done @!p0 $0x0  }
0xb2: {  	s31 =	sadd.s32 $0xC200, s2;
	[sflag:s0] =	ssyncadd.s32 @!p0 $0xFFFFD000;
	s0 =	sand.u32 $0x30, s22  }
.LBB2_7:
0xb3: {  	s6 =	rddreg [dreg:$0x5]  }
0xb4: {  	s6 =	sadd.s32 s7, s6  }
0xb5: {  	s6 =	sshrl.u32 s6, $0x3  }
0xb6: {  	s6 =	smul.u32 $0x6000, s6;
	_ =	sdelay $0x1  }
0xb7: {  	s19 =	sshra.s32 s6, $0x2  }
0xb8: {  	s9 =	sand.u32 $0x300, s17;
	s8 =	sor.u32 $0x200, s19  }
0xb9: {  	s11 =	sadd.s32 s9, s8  }
0xba: {  	v3 =	vld [tilespmem:s11+$0x0]  }
0xbb: {  	s14 =	sshrl.u32 s7, $0x3;
	v4 =	vld [tilespmem:s11+$0x10]  }
0xbc: {  	s6 =	smul.u32 $0x6000, s14;
	v5 =	vld [tilespmem:s11+$0x20]  }
0xbd: {  	v6 =	vld [tilespmem:s11+$0x30]  }
0xbe: {  	s6 =	sshra.s32 s6, $0x2;
	v7 =	vld [tilespmem:s11+$0x40]  }
0xbf: {  	v8 =	vld [tilespmem:s11+$0x50];
	s21 =	sadd.s32 s2, s6  }
0xc0: {  	v9 =	vld [tilespmem:s11+$0x60];
	s6 =	sadd.s32 $0xC200, s21  }
0xc1: {  	v10 =	vld [tilespmem:s11+$0x70];
	s14 =	sadd.s32 s9, s6  }
0xc2: {  	[tilespmem:s14+$0x0] =	vst.add.f32.msk $0xffff, v3  }
0xc3: {  	[tilespmem:s14+$0x10] =	vst.add.f32.msk $0xffff, v4  }
0xc4: {  	[tilespmem:s14+$0x20] =	vst.add.f32.msk $0xffff, v5  }
0xc5: {  	[tilespmem:s14+$0x30] =	vst.add.f32.msk $0xffff, v6  }
0xc6: {  	[tilespmem:s14+$0x40] =	vst.add.f32.msk $0xffff, v7  }
0xc7: {  	[tilespmem:s14+$0x50] =	vst.add.f32.msk $0xffff, v8  }
0xc8: {  	[tilespmem:s14+$0x60] =	vst.add.f32.msk $0xffff, v9  }
0xc9: {  	[tilespmem:s14+$0x70] =	vst.add.f32.msk $0xffff, v10  }
0xca: {  	v3 =	vld [tilespmem:s11+$0x400]  }
0xcb: {  	v4 =	vld [tilespmem:s11+$0x410]  }
0xcc: {  	v5 =	vld [tilespmem:s11+$0x420]  }
0xcd: {  	v6 =	vld [tilespmem:s11+$0x430]  }
0xce: {  	v7 =	vld [tilespmem:s11+$0x440]  }
0xcf: {  	v8 =	vld [tilespmem:s11+$0x450]  }
0xd0: {  	v9 =	vld [tilespmem:s11+$0x460]  }
0xd1: {  	v10 =	vld [tilespmem:s11+$0x470]  }
0xd2: {  	[tilespmem:s14+$0x400] =	vst.add.f32.msk $0xffff, v3  }
0xd3: {  	[tilespmem:s14+$0x410] =	vst.add.f32.msk $0xffff, v4  }
0xd4: {  	[tilespmem:s14+$0x420] =	vst.add.f32.msk $0xffff, v5  }
0xd5: {  	[tilespmem:s14+$0x430] =	vst.add.f32.msk $0xffff, v6  }
0xd6: {  	[tilespmem:s14+$0x440] =	vst.add.f32.msk $0xffff, v7  }
0xd7: {  	[tilespmem:s14+$0x450] =	vst.add.f32.msk $0xffff, v8  }
0xd8: {  	s13 =	sadd.s32 $0xA00, s19;
	[tilespmem:s14+$0x460] =	vst.add.f32.msk $0xffff, v9  }
0xd9: {  	s15 =	sadd.s32 s9, s13;
	[tilespmem:s14+$0x470] =	vst.add.f32.msk $0xffff, v10  }
0xda: {  	v3 =	vld [tilespmem:s15+$0x0]  }
0xdb: {  	v4 =	vld [tilespmem:s15+$0x10]  }
0xdc: {  	v5 =	vld [tilespmem:s15+$0x20]  }
0xdd: {  	v6 =	vld [tilespmem:s15+$0x30]  }
0xde: {  	v7 =	vld [tilespmem:s15+$0x40]  }
0xdf: {  	v8 =	vld [tilespmem:s15+$0x50]  }
0xe0: {  	s14 =	sadd.s32 $0xCA00, s21;
	v9 =	vld [tilespmem:s15+$0x60]  }
0xe1: {  	v10 =	vld [tilespmem:s15+$0x70];
	s16 =	sadd.s32 s9, s14  }
0xe2: {  	[tilespmem:s16+$0x0] =	vst.add.f32.msk $0xffff, v3  }
0xe3: {  	[tilespmem:s16+$0x10] =	vst.add.f32.msk $0xffff, v4  }
0xe4: {  	[tilespmem:s16+$0x20] =	vst.add.f32.msk $0xffff, v5  }
0xe5: {  	[tilespmem:s16+$0x30] =	vst.add.f32.msk $0xffff, v6  }
0xe6: {  	[tilespmem:s16+$0x40] =	vst.add.f32.msk $0xffff, v7  }
0xe7: {  	[tilespmem:s16+$0x50] =	vst.add.f32.msk $0xffff, v8  }
0xe8: {  	s15 =	sadd.s32 $0xE00, s19;
	[tilespmem:s16+$0x60] =	vst.add.f32.msk $0xffff, v9  }
0xe9: {  	s20 =	sadd.s32 s9, s15;
	[tilespmem:s16+$0x70] =	vst.add.f32.msk $0xffff, v10  }
0xea: {  	v3 =	vld [tilespmem:s20+$0x0]  }
0xeb: {  	v4 =	vld [tilespmem:s20+$0x10]  }
0xec: {  	v5 =	vld [tilespmem:s20+$0x20]  }
0xed: {  	v6 =	vld [tilespmem:s20+$0x30]  }
0xee: {  	v7 =	vld [tilespmem:s20+$0x40]  }
0xef: {  	v8 =	vld [tilespmem:s20+$0x50]  }
0xf0: {  	s16 =	sadd.s32 $0xCE00, s21;
	v9 =	vld [tilespmem:s20+$0x60]  }
0xf1: {  	v10 =	vld [tilespmem:s20+$0x70];
	s20 =	sadd.s32 s9, s16  }
0xf2: {  	[tilespmem:s20+$0x0] =	vst.add.f32.msk $0xffff, v3  }
0xf3: {  	[tilespmem:s20+$0x10] =	vst.add.f32.msk $0xffff, v4  }
0xf4: {  	[tilespmem:s20+$0x20] =	vst.add.f32.msk $0xffff, v5  }
0xf5: {  	[tilespmem:s20+$0x30] =	vst.add.f32.msk $0xffff, v6  }
0xf6: {  	[tilespmem:s20+$0x40] =	vst.add.f32.msk $0xffff, v7  }
0xf7: {  	[tilespmem:s20+$0x50] =	vst.add.f32.msk $0xffff, v8  }
0xf8: {  	s11 =	sadd.s32 $0x1200, s19;
	[tilespmem:s20+$0x60] =	vst.add.f32.msk $0xffff, v9  }
0xf9: {  	s22 =	sadd.s32 s9, s11;
	[tilespmem:s20+$0x70] =	vst.add.f32.msk $0xffff, v10  }
0xfa: {  	v3 =	vld [tilespmem:s22+$0x0]  }
0xfb: {  	v4 =	vld [tilespmem:s22+$0x10]  }
0xfc: {  	v5 =	vld [tilespmem:s22+$0x20]  }
0xfd: {  	v6 =	vld [tilespmem:s22+$0x30]  }
0xfe: {  	v7 =	vld [tilespmem:s22+$0x40]  }
0xff: {  	v8 =	vld [tilespmem:s22+$0x50]  }
0x100: {  	s20 =	sadd.s32 $0xD200, s21;
	v9 =	vld [tilespmem:s22+$0x60]  }
0x101: {  	v10 =	vld [tilespmem:s22+$0x70];
	s22 =	sadd.s32 s9, s20  }
0x102: {  	[tilespmem:s22+$0x0] =	vst.add.f32.msk $0xffff, v3  }
0x103: {  	[tilespmem:s22+$0x10] =	vst.add.f32.msk $0xffff, v4  }
0x104: {  	[tilespmem:s22+$0x20] =	vst.add.f32.msk $0xffff, v5  }
0x105: {  	[tilespmem:s22+$0x30] =	vst.add.f32.msk $0xffff, v6  }
0x106: {  	[tilespmem:s22+$0x40] =	vst.add.f32.msk $0xffff, v7  }
0x107: {  	[tilespmem:s22+$0x50] =	vst.add.f32.msk $0xffff, v8  }
0x108: {  	s19 =	sadd.s32 $0x1600, s19;
	[tilespmem:s22+$0x60] =	vst.add.f32.msk $0xffff, v9  }
0x109: {  	[tilespmem:s22+$0x70] =	vst.add.f32.msk $0xffff, v10;
	s22 =	sadd.s32 s9, s19  }
0x10a: {  	v3 =	vld [tilespmem:s22+$0x0]  }
0x10b: {  	v4 =	vld [tilespmem:s22+$0x10]  }
0x10c: {  	v5 =	vld [tilespmem:s22+$0x20]  }
0x10d: {  	v6 =	vld [tilespmem:s22+$0x30]  }
0x10e: {  	v7 =	vld [tilespmem:s22+$0x40]  }
0x10f: {  	v8 =	vld [tilespmem:s22+$0x50]  }
0x110: {  	s21 =	sadd.s32 $0xD600, s21;
	v9 =	vld [tilespmem:s22+$0x60]  }
0x111: {  	v10 =	vld [tilespmem:s22+$0x70];
	s22 =	sadd.s32 s9, s21;
	s9 =	sor.u32 $0x80, s9  }
0x112: {  	s8 =	sadd.s32 s9, s8  }
0x113: {  	v57 =	vld [tilespmem:s8+$0x10]  }
0x114: {  	v58 =	vld [tilespmem:s8+$0x20]  }
0x115: {  	v59 =	vld [tilespmem:s8+$0x30]  }
0x116: {  	v60 =	vld [tilespmem:s8+$0x40]  }
0x117: {  	v61 =	vld [tilespmem:s8+$0x50]  }
0x118: {  	v62 =	vld [tilespmem:s8+$0x60]  }
0x119: {  	v63 =	vld [tilespmem:s8+$0x70]  }
0x11a: {  	[tilespmem:s22+$0x0] =	vst.add.f32.msk $0xffff, v3  }
0x11b: {  	[tilespmem:s22+$0x10] =	vst.add.f32.msk $0xffff, v4  }
0x11c: {  	[tilespmem:s22+$0x20] =	vst.add.f32.msk $0xffff, v5  }
0x11d: {  	[tilespmem:s22+$0x30] =	vst.add.f32.msk $0xffff, v6  }
0x11e: {  	[tilespmem:s22+$0x40] =	vst.add.f32.msk $0xffff, v7  }
0x11f: {  	[tilespmem:s22+$0x50] =	vst.add.f32.msk $0xffff, v8  }
0x120: {  	[tilespmem:s22+$0x60] =	vst.add.f32.msk $0xffff, v9  }
0x121: {  	[tilespmem:s22+$0x70] =	vst.add.f32.msk $0xffff, v10  }
0x122: {  	s6 =	sadd.s32 s9, s6;
	v3 =	vld [tilespmem:s8+$0x0]  }
0x123: {  	[tilespmem:s6+$0x10] =	vst.add.f32.msk $0xffff, v57  }
0x124: {  	[tilespmem:s6+$0x20] =	vst.add.f32.msk $0xffff, v58  }
0x125: {  	[tilespmem:s6+$0x30] =	vst.add.f32.msk $0xffff, v59  }
0x126: {  	[tilespmem:s6+$0x40] =	vst.add.f32.msk $0xffff, v60  }
0x127: {  	[tilespmem:s6+$0x50] =	vst.add.f32.msk $0xffff, v61  }
0x128: {  	[tilespmem:s6+$0x60] =	vst.add.f32.msk $0xffff, v62  }
0x129: {  	[tilespmem:s6+$0x70] =	vst.add.f32.msk $0xffff, v63  }
0x12a: {  	[tilespmem:s6+$0x0] =	vst.add.f32.msk $0xffff, v3  }
0x12b: {  	v3 =	vld [tilespmem:s8+$0x400]  }
0x12c: {  	v4 =	vld [tilespmem:s8+$0x410]  }
0x12d: {  	v5 =	vld [tilespmem:s8+$0x420]  }
0x12e: {  	v6 =	vld [tilespmem:s8+$0x430]  }
0x12f: {  	v7 =	vld [tilespmem:s8+$0x440]  }
0x130: {  	v8 =	vld [tilespmem:s8+$0x450]  }
0x131: {  	v9 =	vld [tilespmem:s8+$0x460]  }
0x132: {  	v10 =	vld [tilespmem:s8+$0x470]  }
0x133: {  	[tilespmem:s6+$0x400] =	vst.add.f32.msk $0xffff, v3  }
0x134: {  	[tilespmem:s6+$0x410] =	vst.add.f32.msk $0xffff, v4  }
0x135: {  	[tilespmem:s6+$0x420] =	vst.add.f32.msk $0xffff, v5  }
0x136: {  	[tilespmem:s6+$0x430] =	vst.add.f32.msk $0xffff, v6  }
0x137: {  	[tilespmem:s6+$0x440] =	vst.add.f32.msk $0xffff, v7  }
0x138: {  	[tilespmem:s6+$0x450] =	vst.add.f32.msk $0xffff, v8  }
0x139: {  	[tilespmem:s6+$0x460] =	vst.add.f32.msk $0xffff, v9  }
0x13a: {  	s22 =	sadd.s32 s9, s13;
	[tilespmem:s6+$0x470] =	vst.add.f32.msk $0xffff, v10  }
0x13b: {  	v3 =	vld [tilespmem:s22+$0x0]  }
0x13c: {  	v4 =	vld [tilespmem:s22+$0x10]  }
0x13d: {  	v5 =	vld [tilespmem:s22+$0x20]  }
0x13e: {  	v6 =	vld [tilespmem:s22+$0x30]  }
0x13f: {  	v7 =	vld [tilespmem:s22+$0x40]  }
0x140: {  	v8 =	vld [tilespmem:s22+$0x50]  }
0x141: {  	v9 =	vld [tilespmem:s22+$0x60]  }
0x142: {  	s8 =	sadd.s32 s9, s14;
	v10 =	vld [tilespmem:s22+$0x70]  }
0x143: {  	[tilespmem:s8+$0x0] =	vst.add.f32.msk $0xffff, v3  }
0x144: {  	[tilespmem:s8+$0x10] =	vst.add.f32.msk $0xffff, v4  }
0x145: {  	[tilespmem:s8+$0x20] =	vst.add.f32.msk $0xffff, v5  }
0x146: {  	[tilespmem:s8+$0x30] =	vst.add.f32.msk $0xffff, v6  }
0x147: {  	[tilespmem:s8+$0x40] =	vst.add.f32.msk $0xffff, v7  }
0x148: {  	[tilespmem:s8+$0x50] =	vst.add.f32.msk $0xffff, v8  }
0x149: {  	[tilespmem:s8+$0x60] =	vst.add.f32.msk $0xffff, v9  }
0x14a: {  	s13 =	sadd.s32 s9, s15;
	[tilespmem:s8+$0x70] =	vst.add.f32.msk $0xffff, v10  }
0x14b: {  	v3 =	vld [tilespmem:s13+$0x0]  }
0x14c: {  	v4 =	vld [tilespmem:s13+$0x10]  }
0x14d: {  	v5 =	vld [tilespmem:s13+$0x20]  }
0x14e: {  	v6 =	vld [tilespmem:s13+$0x30]  }
0x14f: {  	v7 =	vld [tilespmem:s13+$0x40]  }
0x150: {  	v8 =	vld [tilespmem:s13+$0x50]  }
0x151: {  	v9 =	vld [tilespmem:s13+$0x60]  }
0x152: {  	s14 =	sadd.s32 s9, s16;
	v10 =	vld [tilespmem:s13+$0x70]  }
0x153: {  	[tilespmem:s14+$0x0] =	vst.add.f32.msk $0xffff, v3  }
0x154: {  	[tilespmem:s14+$0x10] =	vst.add.f32.msk $0xffff, v4  }
0x155: {  	[tilespmem:s14+$0x20] =	vst.add.f32.msk $0xffff, v5  }
0x156: {  	[tilespmem:s14+$0x30] =	vst.add.f32.msk $0xffff, v6  }
0x157: {  	[tilespmem:s14+$0x40] =	vst.add.f32.msk $0xffff, v7  }
0x158: {  	[tilespmem:s14+$0x50] =	vst.add.f32.msk $0xffff, v8  }
0x159: {  	[tilespmem:s14+$0x60] =	vst.add.f32.msk $0xffff, v9  }
0x15a: {  	s15 =	sadd.s32 s9, s11;
	[tilespmem:s14+$0x70] =	vst.add.f32.msk $0xffff, v10  }
0x15b: {  	v3 =	vld [tilespmem:s15+$0x0]  }
0x15c: {  	v4 =	vld [tilespmem:s15+$0x10]  }
0x15d: {  	v5 =	vld [tilespmem:s15+$0x20]  }
0x15e: {  	v6 =	vld [tilespmem:s15+$0x30]  }
0x15f: {  	v7 =	vld [tilespmem:s15+$0x40]  }
0x160: {  	v8 =	vld [tilespmem:s15+$0x50]  }
0x161: {  	v9 =	vld [tilespmem:s15+$0x60]  }
0x162: {  	s16 =	sadd.s32 s9, s20;
	v10 =	vld [tilespmem:s15+$0x70]  }
0x163: {  	[tilespmem:s16+$0x0] =	vst.add.f32.msk $0xffff, v3  }
0x164: {  	[tilespmem:s16+$0x10] =	vst.add.f32.msk $0xffff, v4  }
0x165: {  	[tilespmem:s16+$0x20] =	vst.add.f32.msk $0xffff, v5  }
0x166: {  	[tilespmem:s16+$0x30] =	vst.add.f32.msk $0xffff, v6  }
0x167: {  	[tilespmem:s16+$0x40] =	vst.add.f32.msk $0xffff, v7  }
0x168: {  	[tilespmem:s16+$0x50] =	vst.add.f32.msk $0xffff, v8  }
0x169: {  	[tilespmem:s16+$0x60] =	vst.add.f32.msk $0xffff, v9  }
0x16a: {  	s20 =	sadd.s32 s9, s19;
	[tilespmem:s16+$0x70] =	vst.add.f32.msk $0xffff, v10  }
0x16b: {  	v3 =	vld [tilespmem:s20+$0x0]  }
0x16c: {  	v4 =	vld [tilespmem:s20+$0x10]  }
0x16d: {  	v5 =	vld [tilespmem:s20+$0x20]  }
0x16e: {  	v6 =	vld [tilespmem:s20+$0x30]  }
0x16f: {  	v7 =	vld [tilespmem:s20+$0x40]  }
0x170: {  	v8 =	vld [tilespmem:s20+$0x50]  }
0x171: {  	v9 =	vld [tilespmem:s20+$0x60]  }
0x172: {  	s21 =	sadd.s32 s9, s21;
	v10 =	vld [tilespmem:s20+$0x70]  }
0x173: {  	[tilespmem:s21+$0x0] =	vst.add.f32.msk $0xffff, v3  }
0x174: {  	[tilespmem:s21+$0x10] =	vst.add.f32.msk $0xffff, v4  }
0x175: {  	p0 =	slt.u32 s7, $0xE;
	[tilespmem:s21+$0x20] =	vst.add.f32.msk $0xffff, v5  }
.Ltmp3:
0x176: {  	[tilespmem:s21+$0x30] =	vst.add.f32.msk $0xffff, v6;
	(pc) =	sbr.rel @p0 .LBB2_7-.Ltmp3, $4  }
0x177: {  	[tilespmem:s21+$0x40] =	vst.add.f32.msk $0xffff, v7  }
0x178: {  	[tilespmem:s21+$0x50] =	vst.add.f32.msk $0xffff, v8  }
0x179: {  	s22 =	sadd.s32 $0x2, s7;
	[tilespmem:s21+$0x60] =	vst.add.f32.msk $0xffff, v9  }
0x17a: {  	s17 =	sadd.s32 $0x100, s17;
	s7 =	smov.u32 s22;
	[tilespmem:s21+$0x70] =	vst.add.f32.msk $0xffff, v10  }
0x17b: {  	s2 =	sshrl.u32 s29, $0x2;
	s0 =	sor.u32 s4, s0  }
0x17c: {  	s29 =	sadd.s32 $0x1, s29;
	s2 =	smul.u32 $0x180000, s2;
	s0 =	sshrl.u32 s0, $0x3  }
0x17d: {  	p0 =	sne.s32 s29, $0x10;
	s0 =	smul.u32 $0x1800, s0  }
.Ltmp4:
0x17e: {  	_ = 	snop;
	(pc) =	sbr.rel @p0 .LBB2_2-.Ltmp4, $4  }
0x17f: {  	s0 =	sadd.s32 s2, s0  }
0x180: {  	s0 =	sshrl.u32 s0, $0x3  }
0x181: {  	s30 =	sadd.s32 $0xD, s30;
	s28 =	sadd.s32 $0x1, s28;
	s0 =	sadd.s32 s3, s0  }
0x182: {  	[hbm4b:s0+s5] =	stream.linear.scatter [tilespmem:s31], [sflag:s30], $0x3000, $0x38;
	[tilespmem:$0x1E200] =	vst v63  }
0x183: {  	s0 =	simm.s32 $0x11  }
0x184: {  	_ =	swait.ge [sflag:s0], $0x3000  }
0x185: {  	[sflag:s0] =	ssyncset.done $0x0  }
0x186: {  	s29 =	simm.s32 $0x12;
	[sflag:s0] =	ssyncadd.s32 $0xFFFFD000  }
0x187: {  	_ =	swait.ge [sflag:s29], $0x3000  }
0x188: {  	[sflag:s29] =	ssyncset.done $0x0  }
0x189: {  	s30 =	simm.s32 $0xD;
	[sflag:s29] =	ssyncadd.s32 $0xFFFFD000  }
0x18a: {  	_ =	swait.ge [sflag:s30], $0x3000  }
0x18b: {  	[sflag:s30] =	ssyncset.done $0x0  }
0x18c: {  	[sflag:s30] =	ssyncadd.s32 $0xFFFFD000  }
0x18d: {  	_ =	swait.ge [sflag:s23], $0x3000  }
0x18e: {  	[sflag:s23] =	ssyncset.done $0x0  }
0x18f: {  	[sflag:s23] =	ssyncadd.s32 $0xFFFFD000  }
0x190: {  	_ =	swait.ge [sflag:s24], $0x3000  }
0x191: {  	[sflag:s24] =	ssyncset.done $0x0  }
0x192: {  	[sflag:s24] =	ssyncadd.s32 $0xFFFFD000  }
0x193: {  	_ =	swait.ge [sflag:s25], $0x3000  }
0x194: {  	s26 =	sadd.s32 $0x1, s26;
	s31 =	rddreg [dreg:$0xe]  }
0x195: {  	p0 =	sne.s32 s26, s31  }
.Ltmp5:
0x196: {  	_ = 	snop;
	(pc) =	sbr.rel @p0 .LBB2_1-.Ltmp5, $3  }
0x197: {  	_ =	sdelay $0x1  }
0x198: {  	[sflag:s25] =	ssyncset.done $0x0  }
0x199: {  	[sflag:s25] =	ssyncadd.s32 $0xFFFFD000  }
0x19a: {  	_ =	sfence.sel $0x180000  }
0x19b: {  	[bflag:$0x0] =	sbarrier.arrive $0xFFFF  }
0x19c: {  	_ =	strace $0x90000047  }
0x19d: {  	s0 =	stileid.u32;
	[bflag:$0x2] =	sbarrier.arrive $0xFFFF  }
0x19e: {  	p0 =	sne.s32 s0, $0x0;
	s0 =	rddreg [dreg:$0x4]  }
0x19f: {  	s0 =	sadd.s32 @!p0 $0x100000, s0  }
0x1a0: {  	[sflag:s0] =	ssyncadd.tile.s32 @!p0 $0x1;
	_ =	shalt  }
.Lfunc_end2:
_tile_overlayer_lowered:
.L_overlay_start_2:
0x1a1: {  	(tag) =	ssettag $0x2  }
0x1a2: {  	s0 =	rddreg [dreg:$0x0];
	s2 =	stileid.u32  }
0x1a3: {  	s1 =	rddreg [dreg:$0x1];
	p0 =	sne.s32 s2, $0x0  }
0x1a4: {  	s3 =	rddreg [dreg:$0x2];
	[bflag:$0x3] =	sbarrier.arrive $0xFFFF;
	s2 =	simm.s32 @!p0 $0x1C13  }
0x1a5: {  	[timem:s3], [sflag:s2] =	dma.local @!p0 [hbm:s0], s1  }
0x1a6: {  	s0 =	simm.s32 @!p0 $0x13  }
0x1a7: {  	_ =	swait.ge @!p0 [sflag:s0], s1  }
0x1a8: {  	s1 =	ssub.s32 @!p0 $0x0, s1;
	[sflag:s0] =	ssyncset.done @!p0 $0x0  }
0x1a9: {  	[sflag:s0] =	ssyncadd.s32 @!p0 s1  }
0x1aa: {  	[bflag:$0x3] =	sbarrier.arrive $0xFFFF  }
0x1ab: {  	_ =	shalt  }

</sc_bundles>
